<compile_context>
chip_gen: v7x
topology: tpu7x:2x2x1
jax: 0.10.2.dev20260603
libtpu: 0.0.44.dev20260713+nightly
codegen_flags: <defaults>
</compile_context>

<pallas_src>
import functools
import jax
import jax.numpy as jnp
from jax import lax
from jax.experimental import pallas as pl
from jax.experimental.pallas import tpu as pltpu
from jax.experimental.pallas import tpu_sc as plsc

NC, NS, L = 2, 16, 16
NW = NC * NS
B, S, H = 16384, 32, 128
ROWS_PER_W = B // NW
CHUNK_ROWS = 4
CHUNK_IDS = CHUNK_ROWS * S
NCHUNKS = ROWS_PER_W // CHUNK_ROWS
HV = H // L
NBUF = 4


def _sc_pool_body(ids_hbm, mask_hbm, table_hbm, out_hbm,
                  idx_v, mask_v, buf, stg, gsem, osem, msem):
    wid = lax.axis_index("s") * NC + lax.axis_index("c")
    id_row0 = wid * (ROWS_PER_W * S // CHUNK_IDS)
    mask_base = wid * ROWS_PER_W * S
    out_base = wid * ROWS_PER_W * H

    pltpu.sync_copy(ids_hbm.at[pl.ds(id_row0, NCHUNKS)], idx_v)

    def gather(c, slot):
        return pltpu.async_copy(table_hbm.at[idx_v.at[c]], buf.at[slot], gsem)

    for c in range(NBUF - 1):
        gather(c, c)
    mask_cp = pltpu.async_copy(
        mask_hbm.at[pl.ds(mask_base, ROWS_PER_W * S)], mask_v, msem)

    def out_flush(c, slot, issue):
        dst = out_hbm.at[pl.ds(out_base + c * CHUNK_ROWS * H, CHUNK_ROWS * H)]
        cp = (pltpu.async_copy if issue else pltpu.make_async_copy)(
            stg.at[slot], dst, osem)
        return cp

    def chunk_body(c, _):
        slot = lax.rem(c, NBUF)
        oslot = lax.rem(c, 2)

        @pl.when(c + NBUF - 1 < NCHUNKS)
        def _():
            gather(c + NBUF - 1, lax.rem(c + NBUF - 1, NBUF))

        pltpu.make_async_copy(table_hbm.at[idx_v.at[c]], buf.at[slot], gsem).wait()

        @pl.when(c == 0)
        def _():
            mask_cp.wait()

        @pl.when(c >= 2)
        def _():
            out_flush(c, oslot, False).wait()

        def row_body(rr, _):
            mbase = c * CHUNK_IDS + rr * S

            def seq_body(j, carry):
                macc, acc = carry
                mj = plsc.load_gather(
                    mask_v, [jnp.full((L,), mbase + j, jnp.int32)])
                row = rr * S + j
                return (macc + mj, tuple(
                    acc[d] + buf[slot, row, pl.ds(d * L, L)] * mj
                    for d in range(HV)
                ))

            zero = jnp.zeros((L,), jnp.float32)
            macc, acc = lax.fori_loop(
                0, S, seq_body, (zero, tuple(zero for _ in range(HV))),
                unroll=4)
            scale = 1.0 / jnp.maximum(macc, 1.0)
            for d in range(HV):
                stg[oslot, pl.ds(rr * H + d * L, L)] = acc[d] * scale
            return 0

        lax.fori_loop(0, CHUNK_ROWS, row_body, 0)

        out_flush(c, oslot, True)
        return 0

    lax.fori_loop(0, NCHUNKS, chunk_body, 0)
    out_flush(NCHUNKS - 2, 0, False).wait()
    out_flush(NCHUNKS - 1, 1, False).wait()


@functools.partial(jax.jit, static_argnames=())
def _sc_pool(ids2d, maskf, table):
    mesh = plsc.VectorSubcoreMesh(core_axis_name="c", subcore_axis_name="s")
    return pl.kernel(
        _sc_pool_body,
        out_type=jax.ShapeDtypeStruct((B * H,), jnp.float32),
        mesh=mesh,
        scratch_types=[
            pltpu.VMEM((NCHUNKS, CHUNK_IDS), jnp.int32),
            pltpu.VMEM((ROWS_PER_W * S,), jnp.float32),
            pltpu.VMEM((NBUF, CHUNK_IDS, H), jnp.float32),
            pltpu.VMEM((2, CHUNK_ROWS * H), jnp.float32),
            pltpu.SemaphoreType.DMA,
            pltpu.SemaphoreType.DMA,
            pltpu.SemaphoreType.DMA,
        ],
        compiler_params=pltpu.CompilerParams(needs_layout_passes=False),
    )(ids2d, maskf, table)


def _tc_proj_body(x_ref, p_ref, w_ref, o_ref):
    y = jax.lax.dot_general(
        x_ref[...] + p_ref[...], w_ref[...],
        dimension_numbers=(((1,), (1,)), ((), ())),
        precision=jax.lax.Precision.HIGHEST,
        preferred_element_type=jnp.float32)
    o_ref[...] = jnp.broadcast_to(y[:, None, :], (y.shape[0], 4, y.shape[1]))


@jax.jit
def _tc_proj(pooled, prefix, w):
    bb = 4096
    return pl.pallas_call(
        _tc_proj_body,
        grid=(B // bb,),
        in_specs=[
            pl.BlockSpec((bb, H), lambda i: (i, 0)),
            pl.BlockSpec((1, H), lambda i: (0, 0)),
            pl.BlockSpec((H, H), lambda i: (0, 0)),
        ],
        out_specs=pl.BlockSpec((bb, 4, H), lambda i: (i, 0, 0)),
        out_shape=jax.ShapeDtypeStruct((B, 4, H), jnp.float32),
    )(pooled, prefix, w)


def kernel(input_ids, attention_mask, embed_table, signal_prefix, proj_W):
    ids2d = input_ids.reshape(B * S // CHUNK_IDS, CHUNK_IDS)
    maskf = attention_mask.reshape(B * S).astype(jnp.float32)
    pooled = _sc_pool(ids2d, maskf, embed_table).reshape(B, H)
    return _tc_proj(pooled, signal_prefix, proj_W)

# --- scband reference (transcript-rebuilt; emitter-appended) ---
"""Pipeline reference for scband-native-signal-encoder-53901839565368 (READ-ONLY COPY).

The authoritative reference and input builder live on the scoring server;
editing this copy changes nothing except your own understanding.
"""

import jax, jax.numpy as jnp
import numpy as np

VOCAB = 1000000
HIDDEN = 128
BATCH = 16384
SEQ = 32
NUM_SLOTS = 4


def setup_inputs(seed: int = 0) -> dict:
    key = jax.random.key(seed)
    k1, k2, k3 = jax.random.split(key, 3)
    input_ids = jax.random.randint(k1, (BATCH, SEQ), 0, VOCAB, dtype=jnp.int32)
    attention_mask = jnp.ones((BATCH, SEQ), dtype=jnp.int32)
    embed_table = jax.random.normal(k2, (VOCAB, HIDDEN), dtype=jnp.float32) * 0.02
    signal_prefix = jnp.zeros((1, HIDDEN), dtype=jnp.float32)
    proj_W = jnp.eye(HIDDEN, dtype=jnp.float32)  # nn.init.eye_(self.proj.weight)
    return {
        "input_ids": input_ids,
        "attention_mask": attention_mask,
        "embed_table": embed_table,
        "signal_prefix": signal_prefix,
        "proj_W": proj_W,
    }


def reference(input_ids, attention_mask, embed_table, signal_prefix, proj_W):
    # embeddings = self.embed_tokens(input_ids)  (frozen, under no_grad)
    embeddings = jnp.take(embed_table, input_ids, axis=0)  # [B, S, H]
    # mean pooling with attention mask
    mask = attention_mask[..., None].astype(embeddings.dtype)  # [B, S, 1]
    pooled = (embeddings * mask).sum(axis=1) / jnp.clip(mask.sum(axis=1), 1.0)  # [B, H]
    # expand to num_slots
    pooled = jnp.broadcast_to(pooled[:, None, :], (pooled.shape[0], NUM_SLOTS, pooled.shape[1]))
    # add signal prefix and project (Linear, no bias: y = x @ W.T)
    pooled = pooled + signal_prefix
    out = pooled @ proj_W.T  # [B, num_slots, H]
    return out

if __name__ == "__main__":
    import jax
    _d = setup_inputs()
    print(jax.jit(kernel)(*tuple(_d.values())))

</pallas_src>

<mosaic_0001>
#map = affine_map<(d0, d1) -> (0, 0)>
#map1 = affine_map<(d0, d1) -> (0)>
module attributes {stable_mosaic.version = 14 : i64} {
  func.func @_sc_pool_body(%arg0: i32, %arg1: i32, %arg2: memref<4096x128xi32, #tpu.memory_space<hbm>>, %arg3: memref<524288xf32, #tpu.memory_space<hbm>>, %arg4: memref<1000000x128xf32, #tpu.memory_space<hbm>>, %arg5: memref<2097152xf32, #tpu.memory_space<hbm>>, %arg6: memref<128x128xi32, #tpu.memory_space<vmem>>, %arg7: memref<16384xf32, #tpu.memory_space<vmem>>, %arg8: memref<4x128x128xf32, #tpu.memory_space<vmem>>, %arg9: memref<2x512xf32, #tpu.memory_space<vmem>>, %arg10: memref<!tpu.dma_semaphore, #tpu.memory_space<semaphore_mem>>, %arg11: memref<!tpu.dma_semaphore, #tpu.memory_space<semaphore_mem>>, %arg12: memref<!tpu.dma_semaphore, #tpu.memory_space<semaphore_mem>>) attributes {dimension_semantics = [#tpu.dimension_semantics<core_parallel>, #tpu.dimension_semantics<subcore_parallel>], iteration_bounds = array<i64: 2, 16>, scalar_prefetch = 0 : i64, scratch_operands = 7 : i64, tpu.core_type = #tpu.core_type<sc_vector_subcore>, window_params = [{transform_indices = #map}, {transform_indices = #map1}, {transform_indices = #map}, {transform_indices = #map1}]} {
    %mul3A = arith.constant 2 : i32
    %mul3A_0 = arith.muli %arg1, %mul3A : i32
    %add3A = arith.addi %mul3A_0, %arg0 : i32
    %mul3A_1 = arith.constant 128 : i32
    %mul3A_2 = arith.muli %add3A, %mul3A_1 : i32
    %mul3A_3 = arith.constant 512 : i32
    %mul3A_4 = arith.muli %add3A, %mul3A_3 : i32
    %mul3A_5 = arith.constant 32 : i32
    %mul3A_6 = arith.muli %mul3A_4, %mul3A_5 : i32
    %mul3A_7 = arith.constant 512 : i32
    %mul3A_8 = arith.muli %add3A, %mul3A_7 : i32
    %mul3A_9 = arith.constant 128 : i32
    %mul3A_10 = arith.muli %mul3A_8, %mul3A_9 : i32
    "tpu.region"() ({
      %run_scoped3A = tpu.sem_alloc : memref<!tpu.dma_semaphore, #tpu.memory_space<semaphore_mem>>
      %dma_start3A_75 = arith.constant 0 : i32
      %dma_start3A_76 = tpu.memref_slice %arg2[%mul3A_2, %dma_start3A_75] : memref<4096x128xi32, #tpu.memory_space<hbm>> -> memref<128x128xi32, #tpu.memory_space<hbm>>
      %dma_start3A_77 = arith.constant 0 : i32
      %dma_start3A_78 = tpu.memref_slice %arg2[%mul3A_2, %dma_start3A_77] : memref<4096x128xi32, #tpu.memory_space<hbm>> -> memref<128x128xi32, #tpu.memory_space<hbm>>
      tpu.enqueue_dma source(%dma_start3A_78 : memref<128x128xi32, #tpu.memory_space<hbm>>) target(%arg6 : memref<128x128xi32, #tpu.memory_space<vmem>>) target_semaphore(%run_scoped3A : memref<!tpu.dma_semaphore, #tpu.memory_space<semaphore_mem>>)
      %dma_wait3A_79 = arith.constant 0 : i32
      %dma_wait3A_80 = tpu.memref_slice %arg2[%mul3A_2, %dma_wait3A_79] : memref<4096x128xi32, #tpu.memory_space<hbm>> -> memref<128x128xi32, #tpu.memory_space<hbm>>
      %dma_wait3A_81 = arith.constant 0 : i32
      %dma_wait3A_82 = tpu.memref_slice %arg2[%mul3A_2, %dma_wait3A_81] : memref<4096x128xi32, #tpu.memory_space<hbm>> -> memref<128x128xi32, #tpu.memory_space<hbm>>
      tpu.wait_dma2 semaphore(%run_scoped3A : memref<!tpu.dma_semaphore, #tpu.memory_space<semaphore_mem>>) src(%dma_wait3A_82 : memref<128x128xi32, #tpu.memory_space<hbm>>) dst(%arg6 : memref<128x128xi32, #tpu.memory_space<vmem>>)
      tpu.yield
    }) : () -> ()
    %dma_start3A = arith.constant 0 : i32
    %dma_start3A_11 = arith.constant 0 : i32
    %dma_start3A_12 = arith.constant 0 : i32
    %dma_start3A_13 = arith.constant 0 : i32
    %dma_start3A_14 = tpu.memref_slice %arg8[%dma_start3A_11, %dma_start3A_12, %dma_start3A_13] : memref<4x128x128xf32, #tpu.memory_space<vmem>> -> memref<1x128x128xf32, #tpu.memory_space<vmem>>
    %dma_start3A_15 = tpu.memref_squeeze %dma_start3A_14 : memref<1x128x128xf32, #tpu.memory_space<vmem>> -> memref<128x128xf32, #tpu.memory_space<vmem>>
    %dma_start3A_16 = arith.constant 0 : i32
    %dma_start3A_17 = tpu.memref_slice %arg6[%dma_start3A, %dma_start3A_16] : memref<128x128xi32, #tpu.memory_space<vmem>> -> memref<1x128xi32, #tpu.memory_space<vmem>>
    %dma_start3A_18 = tpu.memref_squeeze %dma_start3A_17 : memref<1x128xi32, #tpu.memory_space<vmem>> -> memref<128xi32, #tpu.memory_space<vmem>>
    %dma_start3A_19 = arith.constant 0 : i32
    %dma_start3A_20 = arith.constant 0 : i32
    %dma_start3A_21 = tpu.memref_slice %arg4[%dma_start3A_19, %dma_start3A_20] : memref<1000000x128xf32, #tpu.memory_space<hbm>> -> memref<1000000x128xf32, #tpu.memory_space<hbm>>
    tpu.enqueue_indirect_dma source(%dma_start3A_21 : memref<1000000x128xf32, #tpu.memory_space<hbm>>) target(%dma_start3A_15 : memref<128x128xf32, #tpu.memory_space<vmem>>) offsets(%dma_start3A_18 : memref<128xi32, #tpu.memory_space<vmem>>) semaphore(%arg10 : memref<!tpu.dma_semaphore, #tpu.memory_space<semaphore_mem>>)
    %dma_start3A_22 = arith.constant 1 : i32
    %dma_start3A_23 = arith.constant 1 : i32
    %dma_start3A_24 = arith.constant 0 : i32
    %dma_start3A_25 = arith.constant 0 : i32
    %dma_start3A_26 = tpu.memref_slice %arg8[%dma_start3A_23, %dma_start3A_24, %dma_start3A_25] : memref<4x128x128xf32, #tpu.memory_space<vmem>> -> memref<1x128x128xf32, #tpu.memory_space<vmem>>
    %dma_start3A_27 = tpu.memref_squeeze %dma_start3A_26 : memref<1x128x128xf32, #tpu.memory_space<vmem>> -> memref<128x128xf32, #tpu.memory_space<vmem>>
    %dma_start3A_28 = arith.constant 0 : i32
    %dma_start3A_29 = tpu.memref_slice %arg6[%dma_start3A_22, %dma_start3A_28] : memref<128x128xi32, #tpu.memory_space<vmem>> -> memref<1x128xi32, #tpu.memory_space<vmem>>
    %dma_start3A_30 = tpu.memref_squeeze %dma_start3A_29 : memref<1x128xi32, #tpu.memory_space<vmem>> -> memref<128xi32, #tpu.memory_space<vmem>>
    %dma_start3A_31 = arith.constant 0 : i32
    %dma_start3A_32 = arith.constant 0 : i32
    %dma_start3A_33 = tpu.memref_slice %arg4[%dma_start3A_31, %dma_start3A_32] : memref<1000000x128xf32, #tpu.memory_space<hbm>> -> memref<1000000x128xf32, #tpu.memory_space<hbm>>
    tpu.enqueue_indirect_dma source(%dma_start3A_33 : memref<1000000x128xf32, #tpu.memory_space<hbm>>) target(%dma_start3A_27 : memref<128x128xf32, #tpu.memory_space<vmem>>) offsets(%dma_start3A_30 : memref<128xi32, #tpu.memory_space<vmem>>) semaphore(%arg10 : memref<!tpu.dma_semaphore, #tpu.memory_space<semaphore_mem>>)
    %dma_start3A_34 = arith.constant 2 : i32
    %dma_start3A_35 = arith.constant 2 : i32
    %dma_start3A_36 = arith.constant 0 : i32
    %dma_start3A_37 = arith.constant 0 : i32
    %dma_start3A_38 = tpu.memref_slice %arg8[%dma_start3A_35, %dma_start3A_36, %dma_start3A_37] : memref<4x128x128xf32, #tpu.memory_space<vmem>> -> memref<1x128x128xf32, #tpu.memory_space<vmem>>
    %dma_start3A_39 = tpu.memref_squeeze %dma_start3A_38 : memref<1x128x128xf32, #tpu.memory_space<vmem>> -> memref<128x128xf32, #tpu.memory_space<vmem>>
    %dma_start3A_40 = arith.constant 0 : i32
    %dma_start3A_41 = tpu.memref_slice %arg6[%dma_start3A_34, %dma_start3A_40] : memref<128x128xi32, #tpu.memory_space<vmem>> -> memref<1x128xi32, #tpu.memory_space<vmem>>
    %dma_start3A_42 = tpu.memref_squeeze %dma_start3A_41 : memref<1x128xi32, #tpu.memory_space<vmem>> -> memref<128xi32, #tpu.memory_space<vmem>>
    %dma_start3A_43 = arith.constant 0 : i32
    %dma_start3A_44 = arith.constant 0 : i32
    %dma_start3A_45 = tpu.memref_slice %arg4[%dma_start3A_43, %dma_start3A_44] : memref<1000000x128xf32, #tpu.memory_space<hbm>> -> memref<1000000x128xf32, #tpu.memory_space<hbm>>
    tpu.enqueue_indirect_dma source(%dma_start3A_45 : memref<1000000x128xf32, #tpu.memory_space<hbm>>) target(%dma_start3A_39 : memref<128x128xf32, #tpu.memory_space<vmem>>) offsets(%dma_start3A_42 : memref<128xi32, #tpu.memory_space<vmem>>) semaphore(%arg10 : memref<!tpu.dma_semaphore, #tpu.memory_space<semaphore_mem>>)
    %dma_start3A_46 = tpu.memref_slice %arg3[%mul3A_6] : memref<524288xf32, #tpu.memory_space<hbm>> -> memref<16384xf32, #tpu.memory_space<hbm>>
    %dma_start3A_47 = tpu.memref_slice %arg3[%mul3A_6] : memref<524288xf32, #tpu.memory_space<hbm>> -> memref<16384xf32, #tpu.memory_space<hbm>>
    tpu.enqueue_dma source(%dma_start3A_47 : memref<16384xf32, #tpu.memory_space<hbm>>) target(%arg7 : memref<16384xf32, #tpu.memory_space<vmem>>) target_semaphore(%arg12 : memref<!tpu.dma_semaphore, #tpu.memory_space<semaphore_mem>>)
    %scan3A = arith.constant 0 : i32
    %scan3A_48 = arith.constant 0 : i32
    %scan3A_49 = arith.constant 128 : i32
    %scan3A_50 = arith.addi %scan3A_48, %scan3A_49 : i32
    %scan3A_51 = arith.constant 1 : i32
    %scan3A_52 = scf.for %scan3A_75 = %scan3A_48 to %scan3A_50 step %scan3A_51 iter_args(%scan3A_76 = %scan3A) -> (i32)  : i32 {
      %rem3A = arith.constant 4 : i32
      %rem3A_77 = arith.remsi %scan3A_75, %rem3A : i32
      %rem3A_78 = arith.constant 2 : i32
      %rem3A_79 = arith.remsi %scan3A_75, %rem3A_78 : i32
      %add3A_80 = arith.constant 4 : i32
      %add3A_81 = arith.addi %scan3A_75, %add3A_80 : i32
      %sub3A = arith.constant 1 : i32
      %sub3A_82 = arith.subi %add3A_81, %sub3A : i32
      %lt3A = arith.constant 128 : i32
      %lt3A_83 = arith.cmpi slt, %sub3A_82, %lt3A : i32
      %convert_element_type3A = arith.extui %lt3A_83 : i1 to i32
      %cond3A = arith.constant 0 : i32
      %cond3A_84 = arith.cmpi ne, %convert_element_type3A, %cond3A : i32
      scf.if %cond3A_84 {
        %add3A_124 = arith.constant 4 : i32
        %add3A_125 = arith.addi %scan3A_75, %add3A_124 : i32
        %sub3A_126 = arith.constant 1 : i32
        %sub3A_127 = arith.subi %add3A_125, %sub3A_126 : i32
        %add3A_128 = arith.constant 4 : i32
        %add3A_129 = arith.addi %scan3A_75, %add3A_128 : i32
        %sub3A_130 = arith.constant 1 : i32
        %sub3A_131 = arith.subi %add3A_129, %sub3A_130 : i32
        %rem3A_132 = arith.constant 4 : i32
        %rem3A_133 = arith.remsi %sub3A_131, %rem3A_132 : i32
        %dma_start3A_134 = arith.constant 0 : i32
        %dma_start3A_135 = arith.constant 0 : i32
        %dma_start3A_136 = tpu.memref_slice %arg8[%rem3A_133, %dma_start3A_134, %dma_start3A_135] : memref<4x128x128xf32, #tpu.memory_space<vmem>> -> memref<1x128x128xf32, #tpu.memory_space<vmem>>
        %dma_start3A_137 = tpu.memref_squeeze %dma_start3A_136 : memref<1x128x128xf32, #tpu.memory_space<vmem>> -> memref<128x128xf32, #tpu.memory_space<vmem>>
        %dma_start3A_138 = arith.constant 0 : i32
        %dma_start3A_139 = tpu.memref_slice %arg6[%sub3A_127, %dma_start3A_138] : memref<128x128xi32, #tpu.memory_space<vmem>> -> memref<1x128xi32, #tpu.memory_space<vmem>>
        %dma_start3A_140 = tpu.memref_squeeze %dma_start3A_139 : memref<1x128xi32, #tpu.memory_space<vmem>> -> memref<128xi32, #tpu.memory_space<vmem>>
        %dma_start3A_141 = arith.constant 0 : i32
        %dma_start3A_142 = arith.constant 0 : i32
        %dma_start3A_143 = tpu.memref_slice %arg4[%dma_start3A_141, %dma_start3A_142] : memref<1000000x128xf32, #tpu.memory_space<hbm>> -> memref<1000000x128xf32, #tpu.memory_space<hbm>>
        tpu.enqueue_indirect_dma source(%dma_start3A_143 : memref<1000000x128xf32, #tpu.memory_space<hbm>>) target(%dma_start3A_137 : memref<128x128xf32, #tpu.memory_space<vmem>>) offsets(%dma_start3A_140 : memref<128xi32, #tpu.memory_space<vmem>>) semaphore(%arg10 : memref<!tpu.dma_semaphore, #tpu.memory_space<semaphore_mem>>)
      } else {
      }
      %dma_wait3A_85 = arith.constant 0 : i32
      %dma_wait3A_86 = arith.constant 0 : i32
      %dma_wait3A_87 = tpu.memref_slice %arg8[%rem3A_77, %dma_wait3A_85, %dma_wait3A_86] : memref<4x128x128xf32, #tpu.memory_space<vmem>> -> memref<1x128x128xf32, #tpu.memory_space<vmem>>
      %dma_wait3A_88 = tpu.memref_squeeze %dma_wait3A_87 : memref<1x128x128xf32, #tpu.memory_space<vmem>> -> memref<128x128xf32, #tpu.memory_space<vmem>>
      %dma_wait3A_89 = arith.constant 0 : i32
      %dma_wait3A_90 = tpu.memref_slice %arg6[%scan3A_75, %dma_wait3A_89] : memref<128x128xi32, #tpu.memory_space<vmem>> -> memref<1x128xi32, #tpu.memory_space<vmem>>
      %dma_wait3A_91 = tpu.memref_squeeze %dma_wait3A_90 : memref<1x128xi32, #tpu.memory_space<vmem>> -> memref<128xi32, #tpu.memory_space<vmem>>
      %dma_wait3A_92 = arith.constant 0 : i32
      %dma_wait3A_93 = arith.constant 0 : i32
      %dma_wait3A_94 = tpu.memref_slice %arg4[%dma_wait3A_92, %dma_wait3A_93] : memref<1000000x128xf32, #tpu.memory_space<hbm>> -> memref<1000000x128xf32, #tpu.memory_space<hbm>>
      tpu.wait_indirect_dma semaphore(%arg10 : memref<!tpu.dma_semaphore, #tpu.memory_space<semaphore_mem>>) src(%dma_wait3A_94 : memref<1000000x128xf32, #tpu.memory_space<hbm>>) dst(%dma_wait3A_88 : memref<128x128xf32, #tpu.memory_space<vmem>>)
      %eq3A = arith.constant 0 : i32
      %eq3A_95 = arith.cmpi eq, %scan3A_75, %eq3A : i32
      %convert_element_type3A_96 = arith.extui %eq3A_95 : i1 to i32
      %cond3A_97 = arith.constant 0 : i32
      %cond3A_98 = arith.cmpi ne, %convert_element_type3A_96, %cond3A_97 : i32
      scf.if %cond3A_98 {
        %dma_wait3A_124 = tpu.memref_slice %arg3[%mul3A_6] : memref<524288xf32, #tpu.memory_space<hbm>> -> memref<16384xf32, #tpu.memory_space<hbm>>
        %dma_wait3A_125 = tpu.memref_slice %arg3[%mul3A_6] : memref<524288xf32, #tpu.memory_space<hbm>> -> memref<16384xf32, #tpu.memory_space<hbm>>
        tpu.wait_dma2 semaphore(%arg12 : memref<!tpu.dma_semaphore, #tpu.memory_space<semaphore_mem>>) src(%dma_wait3A_125 : memref<16384xf32, #tpu.memory_space<hbm>>) dst(%arg7 : memref<16384xf32, #tpu.memory_space<vmem>>)
      } else {
      }
      %ge3A = arith.constant 2 : i32
      %ge3A_99 = arith.cmpi sge, %scan3A_75, %ge3A : i32
      %convert_element_type3A_100 = arith.extui %ge3A_99 : i1 to i32
      %cond3A_101 = arith.constant 0 : i32
      %cond3A_102 = arith.cmpi ne, %convert_element_type3A_100, %cond3A_101 : i32
      scf.if %cond3A_102 {
        %mul3A_124 = arith.constant 4 : i32
        %mul3A_125 = arith.muli %scan3A_75, %mul3A_124 : i32
        %mul3A_126 = arith.constant 128 : i32
        %mul3A_127 = arith.muli %mul3A_125, %mul3A_126 : i32
        %add3A_128 = arith.addi %mul3A_10, %mul3A_127 : i32
        %dma_wait3A_129 = arith.constant 0 : i32
        %dma_wait3A_130 = tpu.memref_slice %arg9[%rem3A_79, %dma_wait3A_129] : memref<2x512xf32, #tpu.memory_space<vmem>> -> memref<1x512xf32, #tpu.memory_space<vmem>>
        %dma_wait3A_131 = tpu.memref_squeeze %dma_wait3A_130 : memref<1x512xf32, #tpu.memory_space<vmem>> -> memref<512xf32, #tpu.memory_space<vmem>>
        %dma_wait3A_132 = tpu.memref_slice %arg5[%add3A_128] : memref<2097152xf32, #tpu.memory_space<hbm>> -> memref<512xf32, #tpu.memory_space<hbm>>
        %dma_wait3A_133 = tpu.memref_slice %arg5[%add3A_128] : memref<2097152xf32, #tpu.memory_space<hbm>> -> memref<512xf32, #tpu.memory_space<hbm>>
        %dma_wait3A_134 = arith.constant 0 : i32
        %dma_wait3A_135 = tpu.memref_slice %arg9[%rem3A_79, %dma_wait3A_134] : memref<2x512xf32, #tpu.memory_space<vmem>> -> memref<1x512xf32, #tpu.memory_space<vmem>>
        %dma_wait3A_136 = tpu.memref_squeeze %dma_wait3A_135 : memref<1x512xf32, #tpu.memory_space<vmem>> -> memref<512xf32, #tpu.memory_space<vmem>>
        tpu.wait_dma2 semaphore(%arg11 : memref<!tpu.dma_semaphore, #tpu.memory_space<semaphore_mem>>) src(%dma_wait3A_136 : memref<512xf32, #tpu.memory_space<vmem>>) dst(%dma_wait3A_133 : memref<512xf32, #tpu.memory_space<hbm>>)
      } else {
      }
      %scan3A_103 = arith.constant 0 : i32
      %scan3A_104 = arith.constant 0 : i32
      %scan3A_105 = arith.constant 4 : i32
      %scan3A_106 = arith.addi %scan3A_104, %scan3A_105 : i32
      %scan3A_107 = arith.constant 1 : i32
      %scan3A_108 = scf.for %scan3A_124 = %scan3A_104 to %scan3A_106 step %scan3A_107 iter_args(%scan3A_125 = %scan3A_103) -> (i32)  : i32 {
        %mul3A_126 = arith.constant 128 : i32
        %mul3A_127 = arith.muli %scan3A_75, %mul3A_126 : i32
        %mul3A_128 = arith.constant 32 : i32
        %mul3A_129 = arith.muli %scan3A_124, %mul3A_128 : i32
        %add3A_130 = arith.addi %mul3A_127, %mul3A_129 : i32
        %broadcast_in_dim3A = arith.constant 0.000000e+00 : f32
        %broadcast_in_dim3A_131 = vector.broadcast %broadcast_in_dim3A : f32 to vector<16xf32>
        %scan3A_132 = arith.constant 0 : i32
        %scan3A_133 = arith.constant 32 : i32
        %scan3A_134 = arith.addi %scan3A_132, %scan3A_133 : i32
        %scan3A_135 = arith.constant 4 : i32
        %scan3A_136:9 = scf.for %scan3A_206 = %scan3A_132 to %scan3A_134 step %scan3A_135 iter_args(%scan3A_207 = %broadcast_in_dim3A_131, %scan3A_208 = %broadcast_in_dim3A_131, %scan3A_209 = %broadcast_in_dim3A_131, %scan3A_210 = %broadcast_in_dim3A_131, %scan3A_211 = %broadcast_in_dim3A_131, %scan3A_212 = %broadcast_in_dim3A_131, %scan3A_213 = %broadcast_in_dim3A_131, %scan3A_214 = %broadcast_in_dim3A_131, %scan3A_215 = %broadcast_in_dim3A_131) -> (vector<16xf32>, vector<16xf32>, vector<16xf32>, vector<16xf32>, vector<16xf32>, vector<16xf32>, vector<16xf32>, vector<16xf32>, vector<16xf32>)  : i32 {
          %add3A_216 = arith.addi %add3A_130, %scan3A_206 : i32
          %broadcast_in_dim3A_217 = vector.broadcast %add3A_216 : i32 to vector<16xi32>
          %gather3A = tpu.vector_load_idx %arg7[%broadcast_in_dim3A_217] : memref<16384xf32, #tpu.memory_space<vmem>>[vector<16xi32>], vector<16xf32>,
          %mul3A_218 = arith.constant 32 : i32
          %mul3A_219 = arith.muli %scan3A_124, %mul3A_218 : i32
          %add3A_220 = arith.addi %mul3A_219, %scan3A_206 : i32
          %add3A_221 = arith.addf %scan3A_207, %gather3A : vector<16xf32>
          %get3A = arith.index_cast %rem3A_77 : i32 to index
          %get3A_222 = arith.index_cast %add3A_220 : i32 to index
          %get3A_223 = arith.constant 0 : index
          %get3A_224 = tpu.vector_load %arg8[%get3A, %get3A_222, %get3A_223] {strides = array<i32>} : memref<4x128x128xf32, #tpu.memory_space<vmem>>, vector<16xf32>,
          %mul3A_225 = arith.mulf %get3A_224, %gather3A : vector<16xf32>
          %add3A_226 = arith.addf %scan3A_208, %mul3A_225 : vector<16xf32>
          %get3A_227 = arith.index_cast %rem3A_77 : i32 to index
          %get3A_228 = arith.index_cast %add3A_220 : i32 to index
          %get3A_229 = arith.constant 16 : index
          %get3A_230 = tpu.vector_load %arg8[%get3A_227, %get3A_228, %get3A_229] {strides = array<i32>} : memref<4x128x128xf32, #tpu.memory_space<vmem>>, vector<16xf32>,
          %mul3A_231 = arith.mulf %get3A_230, %gather3A : vector<16xf32>
          %add3A_232 = arith.addf %scan3A_209, %mul3A_231 : vector<16xf32>
          %get3A_233 = arith.index_cast %rem3A_77 : i32 to index
          %get3A_234 = arith.index_cast %add3A_220 : i32 to index
          %get3A_235 = arith.constant 32 : index
          %get3A_236 = tpu.vector_load %arg8[%get3A_233, %get3A_234, %get3A_235] {strides = array<i32>} : memref<4x128x128xf32, #tpu.memory_space<vmem>>, vector<16xf32>,
          %mul3A_237 = arith.mulf %get3A_236, %gather3A : vector<16xf32>
          %add3A_238 = arith.addf %scan3A_210, %mul3A_237 : vector<16xf32>
          %get3A_239 = arith.index_cast %rem3A_77 : i32 to index
          %get3A_240 = arith.index_cast %add3A_220 : i32 to index
          %get3A_241 = arith.constant 48 : index
          %get3A_242 = tpu.vector_load %arg8[%get3A_239, %get3A_240, %get3A_241] {strides = array<i32>} : memref<4x128x128xf32, #tpu.memory_space<vmem>>, vector<16xf32>,
          %mul3A_243 = arith.mulf %get3A_242, %gather3A : vector<16xf32>
          %add3A_244 = arith.addf %scan3A_211, %mul3A_243 : vector<16xf32>
          %get3A_245 = arith.index_cast %rem3A_77 : i32 to index
          %get3A_246 = arith.index_cast %add3A_220 : i32 to index
          %get3A_247 = arith.constant 64 : index
          %get3A_248 = tpu.vector_load %arg8[%get3A_245, %get3A_246, %get3A_247] {strides = array<i32>} : memref<4x128x128xf32, #tpu.memory_space<vmem>>, vector<16xf32>,
          %mul3A_249 = arith.mulf %get3A_248, %gather3A : vector<16xf32>
          %add3A_250 = arith.addf %scan3A_212, %mul3A_249 : vector<16xf32>
          %get3A_251 = arith.index_cast %rem3A_77 : i32 to index
          %get3A_252 = arith.index_cast %add3A_220 : i32 to index
          %get3A_253 = arith.constant 80 : index
          %get3A_254 = tpu.vector_load %arg8[%get3A_251, %get3A_252, %get3A_253] {strides = array<i32>} : memref<4x128x128xf32, #tpu.memory_space<vmem>>, vector<16xf32>,
          %mul3A_255 = arith.mulf %get3A_254, %gather3A : vector<16xf32>
          %add3A_256 = arith.addf %scan3A_213, %mul3A_255 : vector<16xf32>
          %get3A_257 = arith.index_cast %rem3A_77 : i32 to index
          %get3A_258 = arith.index_cast %add3A_220 : i32 to index
          %get3A_259 = arith.constant 96 : index
          %get3A_260 = tpu.vector_load %arg8[%get3A_257, %get3A_258, %get3A_259] {strides = array<i32>} : memref<4x128x128xf32, #tpu.memory_space<vmem>>, vector<16xf32>,
          %mul3A_261 = arith.mulf %get3A_260, %gather3A : vector<16xf32>
          %add3A_262 = arith.addf %scan3A_214, %mul3A_261 : vector<16xf32>
          %get3A_263 = arith.index_cast %rem3A_77 : i32 to index
          %get3A_264 = arith.index_cast %add3A_220 : i32 to index
          %get3A_265 = arith.constant 112 : index
          %get3A_266 = tpu.vector_load %arg8[%get3A_263, %get3A_264, %get3A_265] {strides = array<i32>} : memref<4x128x128xf32, #tpu.memory_space<vmem>>, vector<16xf32>,
          %mul3A_267 = arith.mulf %get3A_266, %gather3A : vector<16xf32>
          %add3A_268 = arith.addf %scan3A_215, %mul3A_267 : vector<16xf32>
          %scan3A_269 = arith.constant 1 : i32
          %scan3A_270 = arith.addi %scan3A_206, %scan3A_269 : i32
          %add3A_271 = arith.addi %add3A_130, %scan3A_270 : i32
          %broadcast_in_dim3A_272 = vector.broadcast %add3A_271 : i32 to vector<16xi32>
          %gather3A_273 = tpu.vector_load_idx %arg7[%broadcast_in_dim3A_272] : memref<16384xf32, #tpu.memory_space<vmem>>[vector<16xi32>], vector<16xf32>,
          %mul3A_274 = arith.constant 32 : i32
          %mul3A_275 = arith.muli %scan3A_124, %mul3A_274 : i32
          %add3A_276 = arith.addi %mul3A_275, %scan3A_270 : i32
          %add3A_277 = arith.addf %add3A_221, %gather3A_273 : vector<16xf32>
          %get3A_278 = arith.index_cast %rem3A_77 : i32 to index
          %get3A_279 = arith.index_cast %add3A_276 : i32 to index
          %get3A_280 = arith.constant 0 : index
          %get3A_281 = tpu.vector_load %arg8[%get3A_278, %get3A_279, %get3A_280] {strides = array<i32>} : memref<4x128x128xf32, #tpu.memory_space<vmem>>, vector<16xf32>,
          %mul3A_282 = arith.mulf %get3A_281, %gather3A_273 : vector<16xf32>
          %add3A_283 = arith.addf %add3A_226, %mul3A_282 : vector<16xf32>
          %get3A_284 = arith.index_cast %rem3A_77 : i32 to index
          %get3A_285 = arith.index_cast %add3A_276 : i32 to index
          %get3A_286 = arith.constant 16 : index
          %get3A_287 = tpu.vector_load %arg8[%get3A_284, %get3A_285, %get3A_286] {strides = array<i32>} : memref<4x128x128xf32, #tpu.memory_space<vmem>>, vector<16xf32>,
          %mul3A_288 = arith.mulf %get3A_287, %gather3A_273 : vector<16xf32>
          %add3A_289 = arith.addf %add3A_232, %mul3A_288 : vector<16xf32>
          %get3A_290 = arith.index_cast %rem3A_77 : i32 to index
          %get3A_291 = arith.index_cast %add3A_276 : i32 to index
          %get3A_292 = arith.constant 32 : index
          %get3A_293 = tpu.vector_load %arg8[%get3A_290, %get3A_291, %get3A_292] {strides = array<i32>} : memref<4x128x128xf32, #tpu.memory_space<vmem>>, vector<16xf32>,
          %mul3A_294 = arith.mulf %get3A_293, %gather3A_273 : vector<16xf32>
          %add3A_295 = arith.addf %add3A_238, %mul3A_294 : vector<16xf32>
          %get3A_296 = arith.index_cast %rem3A_77 : i32 to index
          %get3A_297 = arith.index_cast %add3A_276 : i32 to index
          %get3A_298 = arith.constant 48 : index
          %get3A_299 = tpu.vector_load %arg8[%get3A_296, %get3A_297, %get3A_298] {strides = array<i32>} : memref<4x128x128xf32, #tpu.memory_space<vmem>>, vector<16xf32>,
          %mul3A_300 = arith.mulf %get3A_299, %gather3A_273 : vector<16xf32>
          %add3A_301 = arith.addf %add3A_244, %mul3A_300 : vector<16xf32>
          %get3A_302 = arith.index_cast %rem3A_77 : i32 to index
          %get3A_303 = arith.index_cast %add3A_276 : i32 to index
          %get3A_304 = arith.constant 64 : index
          %get3A_305 = tpu.vector_load %arg8[%get3A_302, %get3A_303, %get3A_304] {strides = array<i32>} : memref<4x128x128xf32, #tpu.memory_space<vmem>>, vector<16xf32>,
          %mul3A_306 = arith.mulf %get3A_305, %gather3A_273 : vector<16xf32>
          %add3A_307 = arith.addf %add3A_250, %mul3A_306 : vector<16xf32>
          %get3A_308 = arith.index_cast %rem3A_77 : i32 to index
          %get3A_309 = arith.index_cast %add3A_276 : i32 to index
          %get3A_310 = arith.constant 80 : index
          %get3A_311 = tpu.vector_load %arg8[%get3A_308, %get3A_309, %get3A_310] {strides = array<i32>} : memref<4x128x128xf32, #tpu.memory_space<vmem>>, vector<16xf32>,
          %mul3A_312 = arith.mulf %get3A_311, %gather3A_273 : vector<16xf32>
          %add3A_313 = arith.addf %add3A_256, %mul3A_312 : vector<16xf32>
          %get3A_314 = arith.index_cast %rem3A_77 : i32 to index
          %get3A_315 = arith.index_cast %add3A_276 : i32 to index
          %get3A_316 = arith.constant 96 : index
          %get3A_317 = tpu.vector_load %arg8[%get3A_314, %get3A_315, %get3A_316] {strides = array<i32>} : memref<4x128x128xf32, #tpu.memory_space<vmem>>, vector<16xf32>,
          %mul3A_318 = arith.mulf %get3A_317, %gather3A_273 : vector<16xf32>
          %add3A_319 = arith.addf %add3A_262, %mul3A_318 : vector<16xf32>
          %get3A_320 = arith.index_cast %rem3A_77 : i32 to index
          %get3A_321 = arith.index_cast %add3A_276 : i32 to index
          %get3A_322 = arith.constant 112 : index
          %get3A_323 = tpu.vector_load %arg8[%get3A_320, %get3A_321, %get3A_322] {strides = array<i32>} : memref<4x128x128xf32, #tpu.memory_space<vmem>>, vector<16xf32>,
          %mul3A_324 = arith.mulf %get3A_323, %gather3A_273 : vector<16xf32>
          %add3A_325 = arith.addf %add3A_268, %mul3A_324 : vector<16xf32>
          %scan3A_326 = arith.constant 2 : i32
          %scan3A_327 = arith.addi %scan3A_206, %scan3A_326 : i32
          %add3A_328 = arith.addi %add3A_130, %scan3A_327 : i32
          %broadcast_in_dim3A_329 = vector.broadcast %add3A_328 : i32 to vector<16xi32>
          %gather3A_330 = tpu.vector_load_idx %arg7[%broadcast_in_dim3A_329] : memref<16384xf32, #tpu.memory_space<vmem>>[vector<16xi32>], vector<16xf32>,
          %mul3A_331 = arith.constant 32 : i32
          %mul3A_332 = arith.muli %scan3A_124, %mul3A_331 : i32
          %add3A_333 = arith.addi %mul3A_332, %scan3A_327 : i32
          %add3A_334 = arith.addf %add3A_277, %gather3A_330 : vector<16xf32>
          %get3A_335 = arith.index_cast %rem3A_77 : i32 to index
          %get3A_336 = arith.index_cast %add3A_333 : i32 to index
          %get3A_337 = arith.constant 0 : index
          %get3A_338 = tpu.vector_load %arg8[%get3A_335, %get3A_336, %get3A_337] {strides = array<i32>} : memref<4x128x128xf32, #tpu.memory_space<vmem>>, vector<16xf32>,
          %mul3A_339 = arith.mulf %get3A_338, %gather3A_330 : vector<16xf32>
          %add3A_340 = arith.addf %add3A_283, %mul3A_339 : vector<16xf32>
          %get3A_341 = arith.index_cast %rem3A_77 : i32 to index
          %get3A_342 = arith.index_cast %add3A_333 : i32 to index
          %get3A_343 = arith.constant 16 : index
          %get3A_344 = tpu.vector_load %arg8[%get3A_341, %get3A_342, %get3A_343] {strides = array<i32>} : memref<4x128x128xf32, #tpu.memory_space<vmem>>, vector<16xf32>,
          %mul3A_345 = arith.mulf %get3A_344, %gather3A_330 : vector<16xf32>
          %add3A_346 = arith.addf %add3A_289, %mul3A_345 : vector<16xf32>
          %get3A_347 = arith.index_cast %rem3A_77 : i32 to index
          %get3A_348 = arith.index_cast %add3A_333 : i32 to index
          %get3A_349 = arith.constant 32 : index
          %get3A_350 = tpu.vector_load %arg8[%get3A_347, %get3A_348, %get3A_349] {strides = array<i32>} : memref<4x128x128xf32, #tpu.memory_space<vmem>>, vector<16xf32>,
          %mul3A_351 = arith.mulf %get3A_350, %gather3A_330 : vector<16xf32>
          %add3A_352 = arith.addf %add3A_295, %mul3A_351 : vector<16xf32>
          %get3A_353 = arith.index_cast %rem3A_77 : i32 to index
          %get3A_354 = arith.index_cast %add3A_333 : i32 to index
          %get3A_355 = arith.constant 48 : index
          %get3A_356 = tpu.vector_load %arg8[%get3A_353, %get3A_354, %get3A_355] {strides = array<i32>} : memref<4x128x128xf32, #tpu.memory_space<vmem>>, vector<16xf32>,
          %mul3A_357 = arith.mulf %get3A_356, %gather3A_330 : vector<16xf32>
          %add3A_358 = arith.addf %add3A_301, %mul3A_357 : vector<16xf32>
          %get3A_359 = arith.index_cast %rem3A_77 : i32 to index
          %get3A_360 = arith.index_cast %add3A_333 : i32 to index
          %get3A_361 = arith.constant 64 : index
          %get3A_362 = tpu.vector_load %arg8[%get3A_359, %get3A_360, %get3A_361] {strides = array<i32>} : memref<4x128x128xf32, #tpu.memory_space<vmem>>, vector<16xf32>,
          %mul3A_363 = arith.mulf %get3A_362, %gather3A_330 : vector<16xf32>
          %add3A_364 = arith.addf %add3A_307, %mul3A_363 : vector<16xf32>
          %get3A_365 = arith.index_cast %rem3A_77 : i32 to index
          %get3A_366 = arith.index_cast %add3A_333 : i32 to index
          %get3A_367 = arith.constant 80 : index
          %get3A_368 = tpu.vector_load %arg8[%get3A_365, %get3A_366, %get3A_367] {strides = array<i32>} : memref<4x128x128xf32, #tpu.memory_space<vmem>>, vector<16xf32>,
          %mul3A_369 = arith.mulf %get3A_368, %gather3A_330 : vector<16xf32>
          %add3A_370 = arith.addf %add3A_313, %mul3A_369 : vector<16xf32>
          %get3A_371 = arith.index_cast %rem3A_77 : i32 to index
          %get3A_372 = arith.index_cast %add3A_333 : i32 to index
          %get3A_373 = arith.constant 96 : index
          %get3A_374 = tpu.vector_load %arg8[%get3A_371, %get3A_372, %get3A_373] {strides = array<i32>} : memref<4x128x128xf32, #tpu.memory_space<vmem>>, vector<16xf32>,
          %mul3A_375 = arith.mulf %get3A_374, %gather3A_330 : vector<16xf32>
          %add3A_376 = arith.addf %add3A_319, %mul3A_375 : vector<16xf32>
          %get3A_377 = arith.index_cast %rem3A_77 : i32 to index
          %get3A_378 = arith.index_cast %add3A_333 : i32 to index
          %get3A_379 = arith.constant 112 : index
          %get3A_380 = tpu.vector_load %arg8[%get3A_377, %get3A_378, %get3A_379] {strides = array<i32>} : memref<4x128x128xf32, #tpu.memory_space<vmem>>, vector<16xf32>,
          %mul3A_381 = arith.mulf %get3A_380, %gather3A_330 : vector<16xf32>
          %add3A_382 = arith.addf %add3A_325, %mul3A_381 : vector<16xf32>
          %scan3A_383 = arith.constant 3 : i32
          %scan3A_384 = arith.addi %scan3A_206, %scan3A_383 : i32
          %add3A_385 = arith.addi %add3A_130, %scan3A_384 : i32
          %broadcast_in_dim3A_386 = vector.broadcast %add3A_385 : i32 to vector<16xi32>
          %gather3A_387 = tpu.vector_load_idx %arg7[%broadcast_in_dim3A_386] : memref<16384xf32, #tpu.memory_space<vmem>>[vector<16xi32>], vector<16xf32>,
          %mul3A_388 = arith.constant 32 : i32
          %mul3A_389 = arith.muli %scan3A_124, %mul3A_388 : i32
          %add3A_390 = arith.addi %mul3A_389, %scan3A_384 : i32
          %add3A_391 = arith.addf %add3A_334, %gather3A_387 : vector<16xf32>
          %get3A_392 = arith.index_cast %rem3A_77 : i32 to index
          %get3A_393 = arith.index_cast %add3A_390 : i32 to index
          %get3A_394 = arith.constant 0 : index
          %get3A_395 = tpu.vector_load %arg8[%get3A_392, %get3A_393, %get3A_394] {strides = array<i32>} : memref<4x128x128xf32, #tpu.memory_space<vmem>>, vector<16xf32>,
          %mul3A_396 = arith.mulf %get3A_395, %gather3A_387 : vector<16xf32>
          %add3A_397 = arith.addf %add3A_340, %mul3A_396 : vector<16xf32>
          %get3A_398 = arith.index_cast %rem3A_77 : i32 to index
          %get3A_399 = arith.index_cast %add3A_390 : i32 to index
          %get3A_400 = arith.constant 16 : index
          %get3A_401 = tpu.vector_load %arg8[%get3A_398, %get3A_399, %get3A_400] {strides = array<i32>} : memref<4x128x128xf32, #tpu.memory_space<vmem>>, vector<16xf32>,
          %mul3A_402 = arith.mulf %get3A_401, %gather3A_387 : vector<16xf32>
          %add3A_403 = arith.addf %add3A_346, %mul3A_402 : vector<16xf32>
          %get3A_404 = arith.index_cast %rem3A_77 : i32 to index
          %get3A_405 = arith.index_cast %add3A_390 : i32 to index
          %get3A_406 = arith.constant 32 : index
          %get3A_407 = tpu.vector_load %arg8[%get3A_404, %get3A_405, %get3A_406] {strides = array<i32>} : memref<4x128x128xf32, #tpu.memory_space<vmem>>, vector<16xf32>,
          %mul3A_408 = arith.mulf %get3A_407, %gather3A_387 : vector<16xf32>
          %add3A_409 = arith.addf %add3A_352, %mul3A_408 : vector<16xf32>
          %get3A_410 = arith.index_cast %rem3A_77 : i32 to index
          %get3A_411 = arith.index_cast %add3A_390 : i32 to index
          %get3A_412 = arith.constant 48 : index
          %get3A_413 = tpu.vector_load %arg8[%get3A_410, %get3A_411, %get3A_412] {strides = array<i32>} : memref<4x128x128xf32, #tpu.memory_space<vmem>>, vector<16xf32>,
          %mul3A_414 = arith.mulf %get3A_413, %gather3A_387 : vector<16xf32>
          %add3A_415 = arith.addf %add3A_358, %mul3A_414 : vector<16xf32>
          %get3A_416 = arith.index_cast %rem3A_77 : i32 to index
          %get3A_417 = arith.index_cast %add3A_390 : i32 to index
          %get3A_418 = arith.constant 64 : index
          %get3A_419 = tpu.vector_load %arg8[%get3A_416, %get3A_417, %get3A_418] {strides = array<i32>} : memref<4x128x128xf32, #tpu.memory_space<vmem>>, vector<16xf32>,
          %mul3A_420 = arith.mulf %get3A_419, %gather3A_387 : vector<16xf32>
          %add3A_421 = arith.addf %add3A_364, %mul3A_420 : vector<16xf32>
          %get3A_422 = arith.index_cast %rem3A_77 : i32 to index
          %get3A_423 = arith.index_cast %add3A_390 : i32 to index
          %get3A_424 = arith.constant 80 : index
          %get3A_425 = tpu.vector_load %arg8[%get3A_422, %get3A_423, %get3A_424] {strides = array<i32>} : memref<4x128x128xf32, #tpu.memory_space<vmem>>, vector<16xf32>,
          %mul3A_426 = arith.mulf %get3A_425, %gather3A_387 : vector<16xf32>
          %add3A_427 = arith.addf %add3A_370, %mul3A_426 : vector<16xf32>
          %get3A_428 = arith.index_cast %rem3A_77 : i32 to index
          %get3A_429 = arith.index_cast %add3A_390 : i32 to index
          %get3A_430 = arith.constant 96 : index
          %get3A_431 = tpu.vector_load %arg8[%get3A_428, %get3A_429, %get3A_430] {strides = array<i32>} : memref<4x128x128xf32, #tpu.memory_space<vmem>>, vector<16xf32>,
          %mul3A_432 = arith.mulf %get3A_431, %gather3A_387 : vector<16xf32>
          %add3A_433 = arith.addf %add3A_376, %mul3A_432 : vector<16xf32>
          %get3A_434 = arith.index_cast %rem3A_77 : i32 to index
          %get3A_435 = arith.index_cast %add3A_390 : i32 to index
          %get3A_436 = arith.constant 112 : index
          %get3A_437 = tpu.vector_load %arg8[%get3A_434, %get3A_435, %get3A_436] {strides = array<i32>} : memref<4x128x128xf32, #tpu.memory_space<vmem>>, vector<16xf32>,
          %mul3A_438 = arith.mulf %get3A_437, %gather3A_387 : vector<16xf32>
          %add3A_439 = arith.addf %add3A_382, %mul3A_438 : vector<16xf32>
          scf.yield %add3A_391, %add3A_397, %add3A_403, %add3A_409, %add3A_415, %add3A_421, %add3A_427, %add3A_433, %add3A_439 : vector<16xf32>, vector<16xf32>, vector<16xf32>, vector<16xf32>, vector<16xf32>, vector<16xf32>, vector<16xf32>, vector<16xf32>, vector<16xf32>
        }
        %scan3A_137 = arith.constant 32 : i32
        %max3A = arith.constant 1.000000e+00 : f32
        %max3A_138 = vector.broadcast %max3A : f32 to vector<16xf32>
        %max3A_139 = arith.maximumf %scan3A_136#0, %max3A_138 : vector<16xf32>
        %div3A = arith.constant 1.000000e+00 : f32
        %div3A_140 = vector.broadcast %div3A : f32 to vector<16xf32>
        %div3A_141 = arith.divf %div3A_140, %max3A_139 : vector<16xf32>
        %mul3A_142 = arith.mulf %scan3A_136#1, %div3A_141 : vector<16xf32>
        %mul3A_143 = arith.constant 128 : i32
        %mul3A_144 = arith.muli %scan3A_124, %mul3A_143 : i32
        %add3A_145 = arith.constant 0 : i32
        %add3A_146 = arith.addi %mul3A_144, %add3A_145 : i32
        %swap3A = arith.index_cast %rem3A_79 : i32 to index
        %swap3A_147 = arith.index_cast %add3A_146 : i32 to index
        %swap3A_148 = tpu.vector_load %arg9[%swap3A, %swap3A_147] {strides = array<i32>} : memref<2x512xf32, #tpu.memory_space<vmem>>, vector<16xf32>,
        tpu.vector_store %arg9[%swap3A, %swap3A_147], %mul3A_142 {strides = array<i32>} : memref<2x512xf32, #tpu.memory_space<vmem>>, vector<16xf32>,
        %mul3A_149 = arith.mulf %scan3A_136#2, %div3A_141 : vector<16xf32>
        %mul3A_150 = arith.constant 128 : i32
        %mul3A_151 = arith.muli %scan3A_124, %mul3A_150 : i32
        %add3A_152 = arith.constant 16 : i32
        %add3A_153 = arith.addi %mul3A_151, %add3A_152 : i32
        %swap3A_154 = arith.index_cast %rem3A_79 : i32 to index
        %swap3A_155 = arith.index_cast %add3A_153 : i32 to index
        %swap3A_156 = tpu.vector_load %arg9[%swap3A_154, %swap3A_155] {strides = array<i32>} : memref<2x512xf32, #tpu.memory_space<vmem>>, vector<16xf32>,
        tpu.vector_store %arg9[%swap3A_154, %swap3A_155], %mul3A_149 {strides = array<i32>} : memref<2x512xf32, #tpu.memory_space<vmem>>, vector<16xf32>,
        %mul3A_157 = arith.mulf %scan3A_136#3, %div3A_141 : vector<16xf32>
        %mul3A_158 = arith.constant 128 : i32
        %mul3A_159 = arith.muli %scan3A_124, %mul3A_158 : i32
        %add3A_160 = arith.constant 32 : i32
        %add3A_161 = arith.addi %mul3A_159, %add3A_160 : i32
        %swap3A_162 = arith.index_cast %rem3A_79 : i32 to index
        %swap3A_163 = arith.index_cast %add3A_161 : i32 to index
        %swap3A_164 = tpu.vector_load %arg9[%swap3A_162, %swap3A_163] {strides = array<i32>} : memref<2x512xf32, #tpu.memory_space<vmem>>, vector<16xf32>,
        tpu.vector_store %arg9[%swap3A_162, %swap3A_163], %mul3A_157 {strides = array<i32>} : memref<2x512xf32, #tpu.memory_space<vmem>>, vector<16xf32>,
        %mul3A_165 = arith.mulf %scan3A_136#4, %div3A_141 : vector<16xf32>
        %mul3A_166 = arith.constant 128 : i32
        %mul3A_167 = arith.muli %scan3A_124, %mul3A_166 : i32
        %add3A_168 = arith.constant 48 : i32
        %add3A_169 = arith.addi %mul3A_167, %add3A_168 : i32
        %swap3A_170 = arith.index_cast %rem3A_79 : i32 to index
        %swap3A_171 = arith.index_cast %add3A_169 : i32 to index
        %swap3A_172 = tpu.vector_load %arg9[%swap3A_170, %swap3A_171] {strides = array<i32>} : memref<2x512xf32, #tpu.memory_space<vmem>>, vector<16xf32>,
        tpu.vector_store %arg9[%swap3A_170, %swap3A_171], %mul3A_165 {strides = array<i32>} : memref<2x512xf32, #tpu.memory_space<vmem>>, vector<16xf32>,
        %mul3A_173 = arith.mulf %scan3A_136#5, %div3A_141 : vector<16xf32>
        %mul3A_174 = arith.constant 128 : i32
        %mul3A_175 = arith.muli %scan3A_124, %mul3A_174 : i32
        %add3A_176 = arith.constant 64 : i32
        %add3A_177 = arith.addi %mul3A_175, %add3A_176 : i32
        %swap3A_178 = arith.index_cast %rem3A_79 : i32 to index
        %swap3A_179 = arith.index_cast %add3A_177 : i32 to index
        %swap3A_180 = tpu.vector_load %arg9[%swap3A_178, %swap3A_179] {strides = array<i32>} : memref<2x512xf32, #tpu.memory_space<vmem>>, vector<16xf32>,
        tpu.vector_store %arg9[%swap3A_178, %swap3A_179], %mul3A_173 {strides = array<i32>} : memref<2x512xf32, #tpu.memory_space<vmem>>, vector<16xf32>,
        %mul3A_181 = arith.mulf %scan3A_136#6, %div3A_141 : vector<16xf32>
        %mul3A_182 = arith.constant 128 : i32
        %mul3A_183 = arith.muli %scan3A_124, %mul3A_182 : i32
        %add3A_184 = arith.constant 80 : i32
        %add3A_185 = arith.addi %mul3A_183, %add3A_184 : i32
        %swap3A_186 = arith.index_cast %rem3A_79 : i32 to index
        %swap3A_187 = arith.index_cast %add3A_185 : i32 to index
        %swap3A_188 = tpu.vector_load %arg9[%swap3A_186, %swap3A_187] {strides = array<i32>} : memref<2x512xf32, #tpu.memory_space<vmem>>, vector<16xf32>,
        tpu.vector_store %arg9[%swap3A_186, %swap3A_187], %mul3A_181 {strides = array<i32>} : memref<2x512xf32, #tpu.memory_space<vmem>>, vector<16xf32>,
        %mul3A_189 = arith.mulf %scan3A_136#7, %div3A_141 : vector<16xf32>
        %mul3A_190 = arith.constant 128 : i32
        %mul3A_191 = arith.muli %scan3A_124, %mul3A_190 : i32
        %add3A_192 = arith.constant 96 : i32
        %add3A_193 = arith.addi %mul3A_191, %add3A_192 : i32
        %swap3A_194 = arith.index_cast %rem3A_79 : i32 to index
        %swap3A_195 = arith.index_cast %add3A_193 : i32 to index
        %swap3A_196 = tpu.vector_load %arg9[%swap3A_194, %swap3A_195] {strides = array<i32>} : memref<2x512xf32, #tpu.memory_space<vmem>>, vector<16xf32>,
        tpu.vector_store %arg9[%swap3A_194, %swap3A_195], %mul3A_189 {strides = array<i32>} : memref<2x512xf32, #tpu.memory_space<vmem>>, vector<16xf32>,
        %mul3A_197 = arith.mulf %scan3A_136#8, %div3A_141 : vector<16xf32>
        %mul3A_198 = arith.constant 128 : i32
        %mul3A_199 = arith.muli %scan3A_124, %mul3A_198 : i32
        %add3A_200 = arith.constant 112 : i32
        %add3A_201 = arith.addi %mul3A_199, %add3A_200 : i32
        %swap3A_202 = arith.index_cast %rem3A_79 : i32 to index
        %swap3A_203 = arith.index_cast %add3A_201 : i32 to index
        %swap3A_204 = tpu.vector_load %arg9[%swap3A_202, %swap3A_203] {strides = array<i32>} : memref<2x512xf32, #tpu.memory_space<vmem>>, vector<16xf32>,
        tpu.vector_store %arg9[%swap3A_202, %swap3A_203], %mul3A_197 {strides = array<i32>} : memref<2x512xf32, #tpu.memory_space<vmem>>, vector<16xf32>,
        %scan3A_205 = arith.constant 0 : i32
        scf.yield %scan3A_205 : i32
      }
      %scan3A_109 = arith.constant 4 : i32
      %mul3A_110 = arith.constant 4 : i32
      %mul3A_111 = arith.muli %scan3A_75, %mul3A_110 : i32
      %mul3A_112 = arith.constant 128 : i32
      %mul3A_113 = arith.muli %mul3A_111, %mul3A_112 : i32
      %add3A_114 = arith.addi %mul3A_10, %mul3A_113 : i32
      %dma_start3A_115 = arith.constant 0 : i32
      %dma_start3A_116 = tpu.memref_slice %arg9[%rem3A_79, %dma_start3A_115] : memref<2x512xf32, #tpu.memory_space<vmem>> -> memref<1x512xf32, #tpu.memory_space<vmem>>
      %dma_start3A_117 = tpu.memref_squeeze %dma_start3A_116 : memref<1x512xf32, #tpu.memory_space<vmem>> -> memref<512xf32, #tpu.memory_space<vmem>>
      %dma_start3A_118 = tpu.memref_slice %arg5[%add3A_114] : memref<2097152xf32, #tpu.memory_space<hbm>> -> memref<512xf32, #tpu.memory_space<hbm>>
      %dma_start3A_119 = tpu.memref_slice %arg5[%add3A_114] : memref<2097152xf32, #tpu.memory_space<hbm>> -> memref<512xf32, #tpu.memory_space<hbm>>
      %dma_start3A_120 = arith.constant 0 : i32
      %dma_start3A_121 = tpu.memref_slice %arg9[%rem3A_79, %dma_start3A_120] : memref<2x512xf32, #tpu.memory_space<vmem>> -> memref<1x512xf32, #tpu.memory_space<vmem>>
      %dma_start3A_122 = tpu.memref_squeeze %dma_start3A_121 : memref<1x512xf32, #tpu.memory_space<vmem>> -> memref<512xf32, #tpu.memory_space<vmem>>
      tpu.enqueue_dma source(%dma_start3A_122 : memref<512xf32, #tpu.memory_space<vmem>>) target(%dma_start3A_119 : memref<512xf32, #tpu.memory_space<hbm>>) target_semaphore(%arg11 : memref<!tpu.dma_semaphore, #tpu.memory_space<semaphore_mem>>)
      %scan3A_123 = arith.constant 0 : i32
      scf.yield %scan3A_123 : i32
    }
    %scan3A_53 = arith.constant 128 : i32
    %add3A_54 = arith.constant 64512 : i32
    %add3A_55 = arith.addi %mul3A_10, %add3A_54 : i32
    %dma_wait3A = arith.constant 0 : i32
    %dma_wait3A_56 = arith.constant 0 : i32
    %dma_wait3A_57 = tpu.memref_slice %arg9[%dma_wait3A, %dma_wait3A_56] : memref<2x512xf32, #tpu.memory_space<vmem>> -> memref<1x512xf32, #tpu.memory_space<vmem>>
    %dma_wait3A_58 = tpu.memref_squeeze %dma_wait3A_57 : memref<1x512xf32, #tpu.memory_space<vmem>> -> memref<512xf32, #tpu.memory_space<vmem>>
    %dma_wait3A_59 = tpu.memref_slice %arg5[%add3A_55] : memref<2097152xf32, #tpu.memory_space<hbm>> -> memref<512xf32, #tpu.memory_space<hbm>>
    %dma_wait3A_60 = tpu.memref_slice %arg5[%add3A_55] : memref<2097152xf32, #tpu.memory_space<hbm>> -> memref<512xf32, #tpu.memory_space<hbm>>
    %dma_wait3A_61 = arith.constant 0 : i32
    %dma_wait3A_62 = tpu.memref_slice %arg9[%dma_wait3A, %dma_wait3A_61] : memref<2x512xf32, #tpu.memory_space<vmem>> -> memref<1x512xf32, #tpu.memory_space<vmem>>
    %dma_wait3A_63 = tpu.memref_squeeze %dma_wait3A_62 : memref<1x512xf32, #tpu.memory_space<vmem>> -> memref<512xf32, #tpu.memory_space<vmem>>
    tpu.wait_dma2 semaphore(%arg11 : memref<!tpu.dma_semaphore, #tpu.memory_space<semaphore_mem>>) src(%dma_wait3A_63 : memref<512xf32, #tpu.memory_space<vmem>>) dst(%dma_wait3A_60 : memref<512xf32, #tpu.memory_space<hbm>>)
    %add3A_64 = arith.constant 65024 : i32
    %add3A_65 = arith.addi %mul3A_10, %add3A_64 : i32
    %dma_wait3A_66 = arith.constant 1 : i32
    %dma_wait3A_67 = arith.constant 0 : i32
    %dma_wait3A_68 = tpu.memref_slice %arg9[%dma_wait3A_66, %dma_wait3A_67] : memref<2x512xf32, #tpu.memory_space<vmem>> -> memref<1x512xf32, #tpu.memory_space<vmem>>
    %dma_wait3A_69 = tpu.memref_squeeze %dma_wait3A_68 : memref<1x512xf32, #tpu.memory_space<vmem>> -> memref<512xf32, #tpu.memory_space<vmem>>
    %dma_wait3A_70 = tpu.memref_slice %arg5[%add3A_65] : memref<2097152xf32, #tpu.memory_space<hbm>> -> memref<512xf32, #tpu.memory_space<hbm>>
    %dma_wait3A_71 = tpu.memref_slice %arg5[%add3A_65] : memref<2097152xf32, #tpu.memory_space<hbm>> -> memref<512xf32, #tpu.memory_space<hbm>>
    %dma_wait3A_72 = arith.constant 0 : i32
    %dma_wait3A_73 = tpu.memref_slice %arg9[%dma_wait3A_66, %dma_wait3A_72] : memref<2x512xf32, #tpu.memory_space<vmem>> -> memref<1x512xf32, #tpu.memory_space<vmem>>
    %dma_wait3A_74 = tpu.memref_squeeze %dma_wait3A_73 : memref<1x512xf32, #tpu.memory_space<vmem>> -> memref<512xf32, #tpu.memory_space<vmem>>
    tpu.wait_dma2 semaphore(%arg11 : memref<!tpu.dma_semaphore, #tpu.memory_space<semaphore_mem>>) src(%dma_wait3A_74 : memref<512xf32, #tpu.memory_space<vmem>>) dst(%dma_wait3A_71 : memref<512xf32, #tpu.memory_space<hbm>>)
    return
  }
}

</mosaic_0001>

<sc_bundles>
// kernel: _sc_pool.3.cloned.1.call-start
scs
__scs_entry_jumppad:
0x0: {  	(pc) =	sbr.rel $0x88, $3  }
0x1: {  	(tag) =	ssettag $0x0;
	lr =	simm.s32 $0x1  }
0x2: {  	[smem:$0x3F9E] =	sst lr;
	_ =	strace $0xD0000000  }
0x3: {  	_ = 	snop  }
0x4: {  	_ = 	snop  }
0x5: {  	_ = 	snop  }
0x6: {  	_ = 	snop  }
0x7: {  	_ = 	snop  }
__scs_overlays_trampoline_lowered:
0x8: {  	[smem:$0x3FAD] =	sst s0  }
0x9: {  	[smem:$0x3FAE] =	sst s1  }
0xa: {  	[smem:$0x3FAF] =	sst s2  }
0xb: {  	[smem:$0x3FB0] =	sst s3  }
0xc: {  	[smem:$0x3FB1] =	sst s4  }
0xd: {  	[smem:$0x3FB2] =	sst s5  }
0xe: {  	[smem:$0x3FB3] =	sst s6  }
0xf: {  	[smem:$0x3FB4] =	sst s7  }
0x10: {  	[smem:$0x3FB5] =	sst s8  }
0x11: {  	[smem:$0x3FB6] =	sst s9;
	s0 =	simm.s32 @!p0 $0x0  }
0x12: {  	s1 =	sld [smem:$0x3F9C];
	s0 =	simm.s32 @p0 $0x1  }
0x13: {  	[smem:$0x3FB7] =	sst s0;
	s0 =	simm.s32 @!p1 $0x0  }
0x14: {  	s2 =	sld [smem:$0x3F9B];
	s0 =	simm.s32 @p1 $0x1  }
0x15: {  	[smem:$0x3FB8] =	sst s0;
	s0 =	simm.s32 @!p2 $0x0  }
0x16: {  	s3 =	sld [smem:$0x3FDB];
	s0 =	simm.s32 @p2 $0x1  }
0x17: {  	s4 =	simm.s32 $0x1BF5;
	[smem:$0x3FBA] =	sst s0  }
0x18: {  	s0 =	sld [smem:$0x3F9D];
	_ =	swait.ge [sflag:s4], $0x0  }
0x19: {  	s7 =	sld [smem:$0x3F9E]  }
0x1a: {  	s8 =	sadd.s32 $0xFFFFE003, lr  }
0x1b: {  	s9 =	sadd.s32 $0xFFFFFEF7, lr;
	s5 =	simm.s32 $0xFFFFFFFF;
	p2 =	slt.u32 s8, $0xFFFFF086  }
0x1c: {  	p1 =	slt.u32 s9, $0xF7A;
	s5 =	simm.s32 @!p2 $0x0  }
0x1d: {  	s5 =	simm.s32 @p1 $0x1;
	p0 =	seq.s32 s7, s2  }
0x1e: {  	s7 =	smul.u32 @!p0 $0xF7A, s2;
	p2 =	seq.s32 @!p0 s5, $0x0  }
0x1f: {  	s9 =	smul.u32 $0xF7A, s1;
	s8 =	simm.s32 @!p0 $0x1BF5;
	p2 =	por !p2, p0  }
0x20: {  	[sflag:s8] =	ssyncset.s32 @!p0 $0xFFFFF086;
	s6 =	sadd.s32 @!p0 s3, s7;
	s7 =	simm.s32 @!p0 $0x108  }
0x21: {  	s3 =	sadd.s32 s3, s9;
	s6 =	sadd.s32 @!p0 $0x88, s6;
	s7 =	simm.s32 @p2 $0x1082  }
0x22: {  	[simem:s7], [sflag:s8] =	dma.local @!p0 [hbm:s6], $0xF7A  }
0x23: {  	s9 =	sor.u32 $0xD0000000, s2;
	s6 =	simm.s32 $0x108;
	_ =	swait.ge @!p0 [sflag:s8], $0x0  }
0x24: {  	s3 =	sadd.s32 $0x88, s3;
	s6 =	simm.s32 @!p1 $0x1082;
	[sflag:s4] =	ssyncset.s32 $0xFFFFF086  }
0x25: {  	[simem:s6], [sflag:s4] =	dma.local [hbm:s3], $0xF7A  }
0x26: {  	[smem:$0x3F9E] =	sst s1;
	(tag) =	ssettag s2;
	_ =	strace s9  }
0x27: {  	s1 =	sld [smem:$0x3FAE]  }
0x28: {  	s2 =	sld [smem:$0x3FAF]  }
0x29: {  	s4 =	sld [smem:$0x3FB1]  }
0x2a: {  	p0 =	seq.s32 s5, $0x0;
	s5 =	sld [smem:$0x3FB2]  }
0x2b: {  	s6 =	sld [smem:$0x3FB3]  }
0x2c: {  	s7 =	sld [smem:$0x3FB4]  }
0x2d: {  	s3 =	simm.s32 $0x108;
	s8 =	sld [smem:$0x3FB5]  }
0x2e: {  	s3 =	simm.s32 @!p0 $0x1082;
	s9 =	sld [smem:$0x3FB6]  }
0x2f: {  	lr =	sadd.s32 s0, s3;
	s0 =	sld [smem:$0x3FAD]  }
0x30: {  	s3 =	sld [smem:$0x3FB0]  }
0x31: {  	[smem:$0x3FB9] =	sst s10  }
0x32: {  	s10 =	sld [smem:$0x3FB7];
	_ =	sdelay $0x3  }
0x33: {  	p0 =	seq.s32 s10, $0x1;
	s10 =	sld [smem:$0x3FB9];
	_ =	sdelay $0x3  }
0x34: {  	[smem:$0x3FB9] =	sst s10  }
0x35: {  	s10 =	sld [smem:$0x3FB8];
	_ =	sdelay $0x3  }
0x36: {  	p1 =	seq.s32 s10, $0x1;
	s10 =	sld [smem:$0x3FB9];
	_ =	sdelay $0x3  }
0x37: {  	[smem:$0x3FB9] =	sst s10  }
0x38: {  	s10 =	sld [smem:$0x3FBA]  }
0x39: {  	_ = 	snop;
	(pc) =	sbr.ind lr, $3  }
0x3a: {  	_ = 	snop  }
0x3b: {  	_ = 	snop  }
0x3c: {  	p2 =	seq.s32 s10, $0x1;
	s10 =	sld [smem:$0x3FB9]  }
0x3d: {  	_ =	shalt  }
0x3e: {  	_ =	shalt  }
0x3f: {  	_ =	shalt  }
0x40: {  	_ =	shalt  }
0x41: {  	_ =	shalt  }
0x42: {  	_ =	shalt  }
0x43: {  	_ =	shalt  }
0x44: {  	_ =	shalt  }
0x45: {  	_ =	shalt  }
0x46: {  	_ =	shalt  }
0x47: {  	_ =	shalt  }
0x48: {  	_ =	shalt  }
0x49: {  	_ =	shalt  }
0x4a: {  	_ =	shalt  }
0x4b: {  	_ =	shalt  }
0x4c: {  	_ =	shalt  }
0x4d: {  	_ =	shalt  }
0x4e: {  	_ =	shalt  }
0x4f: {  	_ =	shalt  }
0x50: {  	_ =	shalt  }
0x51: {  	_ =	shalt  }
0x52: {  	_ =	shalt  }
0x53: {  	_ =	shalt  }
0x54: {  	_ =	shalt  }
0x55: {  	_ =	shalt  }
0x56: {  	_ =	shalt  }
0x57: {  	_ =	shalt  }
0x58: {  	_ =	shalt  }
0x59: {  	_ =	shalt  }
0x5a: {  	_ =	shalt  }
0x5b: {  	_ =	shalt  }
0x5c: {  	_ =	shalt  }
0x5d: {  	_ =	shalt  }
0x5e: {  	_ =	shalt  }
0x5f: {  	_ =	shalt  }
0x60: {  	_ =	shalt  }
0x61: {  	_ =	shalt  }
0x62: {  	_ =	shalt  }
0x63: {  	_ =	shalt  }
0x64: {  	_ =	shalt  }
0x65: {  	_ =	shalt  }
0x66: {  	_ =	shalt  }
0x67: {  	_ =	shalt  }
0x68: {  	_ =	shalt  }
0x69: {  	_ =	shalt  }
0x6a: {  	_ =	shalt  }
0x6b: {  	_ =	shalt  }
0x6c: {  	_ =	shalt  }
0x6d: {  	_ =	shalt  }
0x6e: {  	_ =	shalt  }
0x6f: {  	_ =	shalt  }
0x70: {  	_ =	shalt  }
0x71: {  	_ =	shalt  }
0x72: {  	_ =	shalt  }
0x73: {  	_ =	shalt  }
0x74: {  	_ =	shalt  }
0x75: {  	_ =	shalt  }
0x76: {  	_ =	shalt  }
0x77: {  	_ =	shalt  }
0x78: {  	_ =	shalt  }
0x79: {  	_ =	shalt  }
0x7a: {  	_ =	shalt  }
0x7b: {  	_ =	shalt  }
0x7c: {  	_ =	shalt  }
0x7d: {  	_ =	shalt  }
0x7e: {  	_ =	shalt  }
0x7f: {  	_ =	shalt  }
0x80: {  	_ =	shalt  }
0x81: {  	_ =	shalt  }
0x82: {  	_ =	shalt  }
0x83: {  	_ =	shalt  }
0x84: {  	_ =	shalt  }
0x85: {  	_ =	shalt  }
0x86: {  	_ =	shalt  }
0x87: {  	_ =	shalt  }
.Lfunc_end0:
.L_simem_size_0:
called_computation_lowered:
.L_overlay_start_0:
0x88: {  	s2 =	sld [smem:$0x3FD9]  }
0x89: {  	s3 =	sld [smem:$0x3FFE];
	_ =	sdelay $0x1  }
0x8a: {  	s1 =	srdreg.scid  }
0x8b: {  	s0 =	sand.u32 $0x1, s1  }
0x8c: {  	s18 =	sshll.u32 s0, $0xA;
	s2 =	sadd.s32 s3, s2  }
0x8d: {  	s2 =	sadd.s32 s2, s18  }
0x8e: {  	[smem:$0x3FC5] =	sst s2  }
0x8f: {  	_ = 	snop  }
0x90: {  	s2 =	sld [smem:$0x3FC9]  }
0x91: {  	s19 =	sld [smem:$0x3FC8]  }
0x92: {  	s4 =	sld [smem:$0x3FC7]  }
0x93: {  	s5 =	sld [smem:$0x3FD0];
	(tm) =	ssettm $0x1  }
0x94: {  	s6 =	sld [smem:$0x3FFB];
	_ =	sdelay $0x3  }
0x95: {  	_ =	strace s6  }
0x96: {  	s6 =	sld [smem:$0x3FFC];
	_ =	sdelay $0x3  }
0x97: {  	_ =	strace s6  }
0x98: {  	s6 =	sld [smem:$0x3FFD];
	_ =	sdelay $0x3  }
0x99: {  	_ =	strace s6  }
0x9a: {  	_ =	strace $0x8FFFFFFF  }
0x9b: {  	s20 =	sld [smem:$0x3FDB];
	_ =	sdelay $0x1  }
0x9c: {  	s7 =	simm.s32 $_scs_section_size  }
0x9d: {  	s8 =	simm.s32 $_size__tile_overlayer_lowered;
	s9 =	simm.s32 $_tile_overlayer_lowered  }
0x9e: {  	s23 =	simm.s32 $0x1BFF;
	s22 =	sshll.u32 s9, $0x1;
	s6 =	sadd.s32 s7, s20  }
0x9f: {  	s10 =	simm.s32 $0x0;
	s21 =	sshll.u32 s8, $0x1;
	s8 =	sadd.s32 s22, s6  }
0xa0: {  	[timem:s10], [sflag:s23] =	dma.local [hbm:s8], s21  }
0xa1: {  	_ =	swait.ge [sflag:s23], s21  }
0xa2: {  	s7 =	ssub.s32 $0x0, s21;
	[sflag:s23] =	ssyncset.done $0x0  }
0xa3: {  	[sflag:s23] =	ssyncadd.s32 s7;
	_ =	sdelay $0x1  }
0xa4: {  	s24 =	simm.s32 $0x1B8B  }
0xa5: {  	_ =	swait.ge [sflag:s24], $0x1  }
0xa6: {  	[sflag:s24] =	ssyncset.done $0x0  }
0xa7: {  	s25 =	simm.s32 $0x1B8E;
	[sflag:s24] =	ssyncadd.s32 $0xFFFFFFFF  }
0xa8: {  	s26 =	simm.s32 $execute0_lowered;
	[smem:$0x3FD2] =	sst s25  }
0xa9: {  	s7 =	sshll.u32 s26, $0x1;
	_ =	strace $0x80000046;
	[dreg:$0x1] =	wrdreg $0xFFFFFFFF  }
0xaa: {  	s28 =	simm.s32 $_size_execute0_lowered;
	s6 =	sadd.s32 s6, s7;
	[dreg:$0x0] =	wrdreg $0x0  }
0xab: {  	s7 =	sshll.u32 s28, $0x1;
	[dreg:$0x2] =	wrdreg s6  }
0xac: {  	[dreg:$0x3] =	wrdreg s7  }
0xad: {  	[dreg:$0x4] =	wrdreg $0xC0  }
0xae: {  	_ =	task [dreg:s10], $0x5FFFF  }
0xaf: {  	[dreg:$0x1] =	wrdreg $0xFFFFFFFF  }
0xb0: {  	[dreg:$0x0] =	wrdreg $0x60  }
0xb1: {  	[dreg:$0x2] =	wrdreg s2  }
0xb2: {  	[dreg:$0x3] =	wrdreg s19  }
0xb3: {  	[dreg:$0x4] =	wrdreg s4  }
0xb4: {  	[dreg:$0x5] =	wrdreg s5  }
0xb5: {  	[dreg:$0x6] =	wrdreg $0x9  }
0xb6: {  	_ =	task.clear_ibuf [dreg:s10], $0x7FFFF;
	_ =	strace $0x90000046  }
0xb7: {  	s29 =	simm.s32 $0x9;
	_ =	strace $0x80000048  }
0xb8: {  	_ =	swait.ge [sflag:s29], $0x1  }
0xb9: {  	[sflag:s29] =	ssyncadd.s32 $0xFFFFFFFF  }
0xba: {  	_ =	strace $0x90000048  }
0xbb: {  	_ =	sfence  }
0xbc: {  	s30 =	sld [smem:$0x0];
	_ =	sdelay $0x2  }
0xbd: {  	s31 =	sshll.u32 s1, $0xD;
	s1 =	sshrl.u32 s1, $0x2  }
0xbe: {  	s3 =	sand.u32 $0x4000, s31;
	s1 =	sadd.s32 s1, s30  }
0xbf: {  	s0 =	sor.u32 s3, s0;
	s1 =	sshll.u32 s1, $0x11  }
0xc0: {  	s0 =	sor.u32 s1, s0  }
0xc1: {  	s0 =	sadd.s32 $0x8F2B, s0  }
0xc2: {  	[sflag:s0] =	ssyncadd.remote.s32 $0x1  }
0xc3: {  	_ =	sfence.sel $0xFFFF  }
0xc4: {  	[dreg:$0x0] =	wrdreg $0xFFFFFFFF;
	(pc) =	sbr.abs _section_cstart, $3  }
0xc5: {  	[dreg:$0x1] =	wrdreg $0xFFFFFFFF  }
0xc6: {  	_ =	task.clear_ibuf [dreg:s10], $0x2FFFF;
	_ =	strace $0x9FFFFFFF  }
0xc7: {  	(tm) =	ssettm $0x7FFFFFFF  }
tec
execute0_lowered:
.L_overlay_start_1:
0x0: {  	(tag) =	ssettag $0x1  }
0x1: {  	s4 =	rddreg [dreg:$0x0]  }
0x2: {  	s5 =	rddreg [dreg:$0x1]  }
0x3: {  	s2 =	rddreg [dreg:$0x2]  }
0x4: {  	s6 =	rddreg [dreg:$0x3];
	s3 =	srdreg.scid  }
0x5: {  	s0 =	rddreg [dreg:$0x4];
	s1 =	stileid.u32;
	s11 =	simm.s32 $0xC000  }
0x6: {  	s12 =	simm.s32 $0x100;
	s13 =	simm.s32 $0x10000;
	s14 =	simm.s32 $0x4000  }
0x7: {  	s15 =	simm.s32 $0x1;
	s16 =	simm.s32 $0x2;
	s17 =	simm.s32 $0x0  }
0x8: {  	s7 =	sand.u32 $0x1, s3;
	s3 =	simm.s32 $0x0;
	s9 =	sshll.u32 s1, $0x1  }
0x9: {  	s8 =	ssub.s32 $0x2, s7;
	[smem:$0x7FF] =	sst s3;
	s7 =	sor.u32 s7, s9  }
0xa: {  	s10 =	sshrl.u32 s8, $0x1;
	_ =	strace $0x80000047;
	s9 =	sshll.u32 s7, $0xB  }
0xb: {  	s7 =	sshll.u32 s7, $0xD;
	s8 =	ssub.s32 s8, s10;
	s4 =	sadd.s32 s4, s9  }
0xc: {  	s5 =	sadd.s32 s5, s9;
	s6 =	sadd.s32 s6, s7;
	s9 =	simm.s32 $0x80  }
0xd: {  	s10 =	simm.s32 $0x8000;
	s7 =	smax.u32 s8, $0x1;
	s8 =	simm.s32 $0x4  }
.LBB2_1:
0xe: {  	[tilespmem:s3], [sflag:$0x4] =	stream.linear.gather [hbm4b:s4+s3], $0x4000, $0x38;
	[tilespmem:$0x18400] =	vst v63  }
0xf: {  	_ =	swait.ge [sflag:s8], $0x4000  }
0x10: {  	[sflag:s8] =	ssyncset.done $0x0  }
0x11: {  	[sflag:s8] =	ssyncadd.s32 $0xFFFFC000  }
0x12: {  	[tilespmem:s10], [sflag:$0x1] =	stream.indirect.gather [hbm4b:s2+s9], $0x80, s3, s9, $0xb8;
	[tilespmem:$0x18400] =	vst v63  }
0x13: {  	_ = 	snop  }
0x14: {  	[tilespmem:s11], [sflag:$0x1] =	stream.indirect.gather [hbm4b:s2+s9], $0x80, s9, s9, $0xb8;
	[tilespmem:$0x18400] =	vst v63  }
0x15: {  	_ = 	snop  }
0x16: {  	[tilespmem:s13], [sflag:$0x1] =	stream.indirect.gather [hbm4b:s2+s9], $0x80, s12, s9, $0xb8;
	[tilespmem:$0x18400] =	vst v63  }
0x17: {  	s18 =	simm.s32 $0x0;
	s19 =	simm.s32 $0x0;
	s20 =	simm.s32 $0x0  }
0x18: {  	[tilespmem:s14], [sflag:$0x3] =	stream.linear.gather [hbm4b:s5+s3], $0x4000, $0x38;
	[tilespmem:$0x18400] =	vst v63  }
.LBB2_2:
0x19: {  	p0 =	sgt.u32 s20, $0x7C  }
0x1a: {  	s21 =	sadd.s32 @!p0 $0x3, s20  }
0x1b: {  	s22 =	sshll.u32 @!p0 s21, $0xE  }
0x1c: {  	s21 =	sshll.u32 @!p0 s21, $0x7;
	s22 =	sand.u32 @!p0 $0xC000, s22  }
0x1d: {  	s23 =	simm.s32 @!p0 $0x80;
	s21 =	sand.u32 @!p0 $0x3FFFFF80, s21;
	s22 =	sadd.s32 @!p0 $0x8000, s22  }
0x1e: {  	[tilespmem:s22], [sflag:$0x1] =	stream.indirect.gather @!p0 [hbm4b:s2+s23], $0x80, s21, s23, $0xb8;
	[tilespmem:$0x18400] =	vst v63  }
0x1f: {  	p0 =	seq.s32 s20, $0x1  }
0x20: {  	_ =	swait.ge [sflag:s15], $0x4000;
	p1 =	sne.s32 @!p0 s20, $0x0  }
0x21: {  	[sflag:s15] =	ssyncset.done $0x0;
	p2 =	por !p1, p0  }
0x22: {  	[sflag:s15] =	ssyncadd.s32 $0xFFFFC000;
	s21 =	simm.s32 @!p2 $0x2  }
0x23: {  	_ =	swait.ge @!p2 [sflag:s21], $0x200  }
0x24: {  	s29 =	sshll.u32 s20, $0x7;
	p0 =	por p1, p0;
	[sflag:s21] =	ssyncset.done @!p2 $0x0  }
0x25: {  	s30 =	sand.u32 $0x3, s18;
	s24 =	simm.s32 @!p0 $0x3;
	[sflag:s21] =	ssyncadd.s32 @!p2 $0xFFFFFE00  }
0x26: {  	s25 =	smov.u32 s19;
	s21 =	sand.u32 $0x80, s29;
	_ =	swait.ge @!p0 [sflag:s24], $0x4000  }
0x27: {  	s31 =	sshll.u32 s30, $0xE;
	s22 =	sor.u32 $0x18000, s21;
	[sflag:s24] =	ssyncset.done @!p0 $0x0  }
0x28: {  	s23 =	sadd.s32 $0x8100, s31;
	v0 =	vmov s22;
	[sflag:s24] =	ssyncadd.s32 @!p0 $0xFFFFC000;
	s24 =	simm.s32 $0x0  }
.LBB2_3:
0x29: {  	v2 =	vld [tilespmem:s23+$0x80]  }
0x2a: {  	v4 =	vld [tilespmem:s23+$0x90]  }
0x2b: {  	v5 =	vld [tilespmem:s23+$0xA0]  }
0x2c: {  	v7 =	vld [tilespmem:s23+$0xB0]  }
0x2d: {  	v8 =	vld [tilespmem:s23+$0xC0]  }
0x2e: {  	v9 =	vld [tilespmem:s23+$0xD0]  }
0x2f: {  	s26 =	sadd.s32 $0xFFFFFFFC, s25;
	v10 =	vld [tilespmem:s23+$0x0]  }
0x30: {  	v11 =	vld [tilespmem:s23+$0x10];
	s28 =	sadd.s32 $0x4, s26;
	s29 =	sadd.s32 $0x7, s26  }
0x31: {  	v13 =	vld [tilespmem:s23+$0x20];
	v1 =	vmov s28;
	v6 =	vmov s29  }
0x32: {  	v14 =	vld [tilespmem:s23+$0x30];
	s28 =	sadd.s32 $0x6, s26;
	v1 =	vand.u32 $0xFFFFFFFC, v1  }
0x33: {  	v16 =	vld [tilespmem:s23+$0x40];
	s26 =	sadd.s32 $0x5, s26;
	v3 =	vmov s28;
	v12 =	vbroadcast v1, $0x0  }
0x34: {  	v17 =	vld [tilespmem:s23+$0x50];
	v1 =	vmov s26;
	v3 =	vand.u32 $0xFFFFFFFE, v3  }
0x35: {  	v18 =	vld [tilespmem:s23+$0xFFFFFF80];
	v1 =	vand.u32 $0xFFFFFFFD, v1;
	v3 =	vbroadcast v3, $0x0  }
0x36: {  	v15 =	vbroadcast v1, $0x0;
	v1 =	vld.idx.msk [tilespmem:v6+s14+$0x0], $0xffff  }
0x37: {  	v19 =	vld [tilespmem:s23+$0xFFFFFF00]  }
0x38: {  	v22 =	vld [tilespmem:s23+$0xFFFFFF10]  }
0x39: {  	v20 =	vld.idx.msk [tilespmem:v12+s14+$0x0], $0xffff  }
0x3a: {  	v29 =	vld [tilespmem:s23+$0xFFFFFF40]  }
0x3b: {  	v3 =	vld.idx.msk [tilespmem:v3+s14+$0x0], $0xffff;
	v21 =	vmul.f32 v2, v1  }
0x3c: {  	v6 =	vld.idx.msk [tilespmem:v15+s14+$0x0], $0xffff;
	v23 =	vmul.f32 v4, v1;
	v24 =	vmul.f32 v5, v1  }
0x3d: {  	v15 =	vld [tilespmem:s23+$0xFFFFFF90];
	v25 =	vmul.f32 v7, v1;
	v4 =	vmul.f32 v8, v1  }
0x3e: {  	v8 =	vld [tilespmem:s23+$0xFFFFFF20];
	v5 =	vmul.f32 v9, v1;
	v19 =	vmul.f32 v19, v20  }
0x3f: {  	v27 =	vld [tilespmem:s23+$0xFFFFFFA0];
	v2 =	vimm.f32 $0.0e+00;
	v22 =	vmul.f32 v22, v20;
	v62 =	vmul.f32 v29, v20  }
0x40: {  	v7 =	vadd.f32 v20, v2;
	v9 =	vmul.f32 v10, v3;
	v10 =	vld [tilespmem:s23+$0xFFFFFF30];
	v11 =	vmul.f32 v11, v3  }
0x41: {  	v28 =	vld [tilespmem:s23+$0xFFFFFFD0];
	v26 =	vmul.f32 v13, v3;
	v12 =	vmul.f32 v16, v3  }
0x42: {  	v16 =	vld [tilespmem:s23+$0xFFFFFFB0];
	v13 =	vmul.f32 v17, v3;
	v7 =	vadd.f32 v6, v7;
	v17 =	vmul.f32 v18, v6  }
0x43: {  	v31 =	vld [tilespmem:s23+$0xFFFFFF60];
	v15 =	vmul.f32 v15, v6;
	v8 =	vmul.f32 v8, v20;
	v19 =	vadd.f32 v19, v2  }
0x44: {  	v18 =	vld [tilespmem:s23+$0xFFFFFFC0];
	v22 =	vadd.f32 v22, v2;
	v27 =	vmul.f32 v27, v6;
	v7 =	vadd.f32 v3, v7  }
0x45: {  	v30 =	vld [tilespmem:s23+$0xFFFFFF50];
	v8 =	vadd.f32 v8, v2;
	v17 =	vadd.f32 v17, v19;
	v10 =	vmul.f32 v10, v20  }
0x46: {  	v32 =	vld [tilespmem:s23+$0xFFFFFF70];
	v14 =	vmul.f32 v14, v3;
	v19 =	vadd.f32 v15, v22;
	v7 =	vadd.f32 v1, v7  }
0x47: {  	v16 =	vmul.f32 v16, v6;
	v8 =	vadd.f32 v27, v8;
	v27 =	vld [tilespmem:s23+$0xFFFFFFE0];
	v10 =	vadd.f32 v10, v2  }
0x48: {  	v22 =	vmul.f32 v31, v20;
	v9 =	vadd.f32 v9, v17;
	v63 =	vadd.f32 v11, v19  }
0x49: {  	v17 =	vld [tilespmem:s23+$0xFFFFFFF0];
	v15 =	vmul.f32 v18, v6;
	v8 =	vadd.f32 v26, v8;
	v10 =	vadd.f32 v16, v10  }
0x4a: {  	v19 =	vld [tilespmem:s23+$0x60];
	v26 =	vmul.f32 v30, v20;
	v11 =	vadd.f32 v21, v9;
	v16 =	vmul.f32 v28, v6  }
0x4b: {  	v18 =	vld [tilespmem:s23+$0x70];
	v9 =	vadd.f32 v24, v8;
	v24 =	vmul.f32 v32, v20;
	v14 =	vadd.f32 v14, v10  }
0x4c: {  	v21 =	vld [tilespmem:s23+$0xE0];
	v26 =	vadd.f32 v26, v2;
	v10 =	vadd.f32 v23, v63;
	v23 =	vmul.f32 v27, v6  }
0x4d: {  	s28 =	sadd.s32 $0x200, s23;
	s26 =	simm.s32 $0x0;
	v20 =	vld [tilespmem:s23+$0xF0];
	v8 =	vadd.f32 v25, v14;
	v25 =	vadd.f32 v62, v2;
	v14 =	vimm.f32 $0.0e+00  }
.LBB2_4:
0x4e: {  	v27 =	vld [tilespmem:s28+$0x80];
	v2 =	vadd.f32 v22, v2;
	v14 =	vadd.f32 v24, v14;
	v6 =	vmul.f32 v17, v6  }
0x4f: {  	v17 =	vld [tilespmem:s28+$0x90];
	v15 =	vadd.f32 v15, v25;
	v16 =	vadd.f32 v16, v26;
	v19 =	vmul.f32 v19, v3  }
0x50: {  	v22 =	vld [tilespmem:s28+$0xA0];
	v2 =	vadd.f32 v23, v2;
	v6 =	vadd.f32 v6, v14;
	v3 =	vmul.f32 v18, v3  }
0x51: {  	v18 =	vld [tilespmem:s28+$0xB0];
	v12 =	vadd.f32 v12, v15;
	v13 =	vadd.f32 v13, v16;
	v14 =	vmul.f32 v21, v1  }
0x52: {  	s29 =	sadd.s32 s26, s25;
	v15 =	vld [tilespmem:s28+$0xC0];
	v2 =	vadd.f32 v19, v2;
	v3 =	vadd.f32 v3, v6;
	v1 =	vmul.f32 v20, v1  }
0x53: {  	s30 =	sadd.s32 $0x4, s29;
	v16 =	vld [tilespmem:s28+$0xD0];
	v20 =	vadd.f32 v4, v12;
	v23 =	vadd.f32 v5, v13  }
0x54: {  	s31 =	sadd.s32 $0x7, s29;
	v4 =	vmov s30;
	s30 =	sadd.s32 $0x6, s29;
	v12 =	vld [tilespmem:s28+$0x0];
	v2 =	vadd.f32 v14, v2;
	v14 =	vadd.f32 v1, v3  }
0x55: {  	s29 =	sadd.s32 $0x5, s29;
	v1 =	vand.u32 $0xFFFFFFFC, v4;
	v3 =	vmov s30;
	v4 =	vmov s31;
	v13 =	vld [tilespmem:s28+$0x10]  }
0x56: {  	v5 =	vbroadcast v1, $0x0;
	v1 =	vmov s29;
	v3 =	vand.u32 $0xFFFFFFFE, v3;
	v19 =	vld [tilespmem:s28+$0x20]  }
0x57: {  	v1 =	vand.u32 $0xFFFFFFFD, v1;
	v3 =	vbroadcast v3, $0x0;
	v21 =	vld [tilespmem:s28+$0x30]  }
0x58: {  	v6 =	vbroadcast v1, $0x0;
	v24 =	vld [tilespmem:s28+$0x40]  }
0x59: {  	v25 =	vld [tilespmem:s28+$0x50]  }
0x5a: {  	v1 =	vld.idx.msk [tilespmem:v4+s14+$0x0], $0xffff  }
0x5b: {  	v26 =	vld [tilespmem:s28+$0xFFFFFF80]  }
0x5c: {  	v28 =	vld.idx.msk [tilespmem:v5+s14+$0x0], $0xffff  }
0x5d: {  	v3 =	vld.idx.msk [tilespmem:v3+s14+$0x0], $0xffff  }
0x5e: {  	v6 =	vld.idx.msk [tilespmem:v6+s14+$0x0], $0xffff  }
0x5f: {  	v29 =	vld [tilespmem:s28+$0xFFFFFF90]  }
0x60: {  	s26 =	sadd.s32 $0x4, s26;
	v27 =	vmul.f32 v27, v1;
	v31 =	vmul.f32 v17, v1;
	v30 =	vld [tilespmem:s28+$0xFFFFFF00]  }
0x61: {  	p0 =	slt.u32 s26, $0x1C;
	v32 =	vmul.f32 v22, v1;
	v33 =	vmul.f32 v18, v1;
	v17 =	vld [tilespmem:s28+$0xFFFFFF10]  }
0x62: {  	v4 =	vmul.f32 v15, v1;
	v5 =	vmul.f32 v16, v1;
	v7 =	vadd.f32 v28, v7;
	v18 =	vld [tilespmem:s28+$0xFFFFFF20]  }
0x63: {  	v22 =	vmul.f32 v12, v3;
	v34 =	vmul.f32 v13, v3;
	v15 =	vld [tilespmem:s28+$0xFFFFFF30]  }
0x64: {  	v19 =	vmul.f32 v19, v3;
	v21 =	vmul.f32 v21, v3;
	v7 =	vadd.f32 v6, v7;
	v16 =	vld [tilespmem:s28+$0xFFFFFFA0]  }
0x65: {  	v12 =	vmul.f32 v24, v3;
	v13 =	vmul.f32 v25, v3;
	v35 =	vld [tilespmem:s28+$0xFFFFFFB0]  }
0x66: {  	v24 =	vmul.f32 v26, v6;
	v25 =	vmul.f32 v29, v6;
	v7 =	vadd.f32 v3, v7;
	v26 =	vld [tilespmem:s28+$0xFFFFFFC0]  }
0x67: {  	v29 =	vmul.f32 v30, v28;
	v17 =	vmul.f32 v17, v28;
	v30 =	vld [tilespmem:s28+$0xFFFFFFD0]  }
0x68: {  	v18 =	vmul.f32 v18, v28;
	v7 =	vadd.f32 v1, v7;
	v15 =	vmul.f32 v15, v28;
	v36 =	vld [tilespmem:s28+$0xFFFFFF40]  }
0x69: {  	v11 =	vadd.f32 v29, v11;
	v10 =	vadd.f32 v17, v10;
	v29 =	vld [tilespmem:s28+$0xFFFFFF50];
	v16 =	vmul.f32 v16, v6  }
0x6a: {  	v9 =	vadd.f32 v18, v9;
	v8 =	vadd.f32 v15, v8;
	v18 =	vld [tilespmem:s28+$0xFFFFFF60];
	v17 =	vmul.f32 v35, v6  }
0x6b: {  	v11 =	vadd.f32 v24, v11;
	v10 =	vadd.f32 v25, v10;
	v35 =	vld [tilespmem:s28+$0xFFFFFF70];
	v15 =	vmul.f32 v26, v6  }
0x6c: {  	v9 =	vadd.f32 v16, v9;
	v8 =	vadd.f32 v17, v8;
	v16 =	vmul.f32 v30, v6;
	v30 =	vld [tilespmem:s28+$0xFFFFFFE0]  }
.Ltmp0:
0x6d: {  	v11 =	vadd.f32 v22, v11;
	v10 =	vadd.f32 v34, v10;
	v25 =	vmul.f32 v36, v28;
	v17 =	vld [tilespmem:s28+$0xFFFFFFF0];
	(pc) =	sbr.rel @p0 .LBB2_4-.Ltmp0, $4  }
0x6e: {  	v9 =	vadd.f32 v19, v9;
	v26 =	vmul.f32 v29, v28;
	v8 =	vadd.f32 v21, v8;
	v19 =	vld [tilespmem:s28+$0x60]  }
0x6f: {  	v11 =	vadd.f32 v27, v11;
	v10 =	vadd.f32 v31, v10;
	v22 =	vmul.f32 v18, v28;
	v18 =	vld [tilespmem:s28+$0x70]  }
0x70: {  	v9 =	vadd.f32 v32, v9;
	v24 =	vmul.f32 v35, v28;
	v8 =	vadd.f32 v33, v8;
	v21 =	vld [tilespmem:s28+$0xE0]  }
0x71: {  	v25 =	vadd.f32 v25, v20;
	v26 =	vadd.f32 v26, v23;
	v23 =	vmul.f32 v30, v6;
	v20 =	vld [tilespmem:s28+$0xF0];
	s28 =	sadd.s32 $0x200, s28  }
0x72: {  	v7 =	vmax.f32 v7, $1.000000000e+00  }
0x73: {  	(erf) = vrcp.f32 v7;
	_ =	sdelay $0x5  }
0x74: {  	v2 =	vadd.f32 v22, v2;
	v53 =	vadd.f32 v24, v14;
	v6 =	vmul.f32 v17, v6  }
0x75: {  	v54 =	vadd.f32 v15, v25;
	v55 =	vadd.f32 v16, v26  }
0x76: {  	v56 =	vmul.f32 v19, v3;
	v2 =	vadd.f32 v23, v2;
	v6 =	vadd.f32 v6, v53  }
0x77: {  	v3 =	vmul.f32 v18, v3;
	v57 =	vadd.f32 v12, v54;
	v58 =	vadd.f32 v13, v55;
	v59 =	vpop (erf)  }
0x78: {  	s26 =	sshll.u32 s24, $0x8;
	v60 =	vmul.f32 v21, v1;
	v2 =	vadd.f32 v56, v2;
	v11 =	vmul.f32 v59, v11  }
0x79: {  	s26 =	sand.u32 $0x3FFFFF00, s26;
	v3 =	vadd.f32 v3, v6;
	v1 =	vmul.f32 v20, v1;
	v61 =	vmul.f32 v59, v10  }
0x7a: {  	v4 =	vadd.f32 v4, v57;
	v62 =	vmul.f32 v9, v59;
	[tilespmem:v0+s26+$0x0 ss:$0x1] =	vst.idx.msk $0xffff, v11  }
0x7b: {  	s24 =	sadd.s32 $0x1, s24;
	v5 =	vadd.f32 v5, v58;
	v63 =	vmul.f32 v8, v59;
	[tilespmem:v0+s26+$0x10 ss:$0x1] =	vst.idx.msk $0xffff, v61  }
0x7c: {  	p0 =	sne.s32 s24, $0x4;
	v2 =	vadd.f32 v60, v2;
	v4 =	vmul.f32 v4, v59;
	[tilespmem:v0+s26+$0x20 ss:$0x1] =	vst.idx.msk $0xffff, v62  }
.Ltmp1:
0x7d: {  	v1 =	vadd.f32 v1, v3;
	v3 =	vmul.f32 v5, v59;
	[tilespmem:v0+s26+$0x30 ss:$0x1] =	vst.idx.msk $0xffff, v63;
	(pc) =	sbr.rel @p0 .LBB2_3-.Ltmp1, $4  }
0x7e: {  	v2 =	vmul.f32 v2, v59;
	[tilespmem:v0+s26+$0x40 ss:$0x1] =	vst.idx.msk $0xffff, v4  }
0x7f: {  	v1 =	vmul.f32 v1, v59;
	[tilespmem:v0+s26+$0x50 ss:$0x1] =	vst.idx.msk $0xffff, v3  }
0x80: {  	[tilespmem:v0+s26+$0x60 ss:$0x1] =	vst.idx.msk $0xffff, v2  }
0x81: {  	s25 =	sadd.s32 $0x20, s25;
	s23 =	sadd.s32 $0x1000, s23;
	[tilespmem:v0+s26+$0x70 ss:$0x1] =	vst.idx.msk $0xffff, v1  }
0x82: {  	s23 =	sshll.u32 s20, $0x6  }
0x83: {  	s20 =	sadd.s32 $0x1, s20;
	s23 =	sadd.s32 s23, s6  }
0x84: {  	[hbm4b:s23+s3] =	stream.linear.scatter [tilespmem:s22], [sflag:$0x2], $0x80, $0x38;
	[tilespmem:$0x18400] =	vst v63  }
0x85: {  	s26 =	sor.u32 $0x18100, s21;
	p0 =	sne.s32 s20, $0x80;
	s24 =	sadd.s32 $0x10, s23  }
0x86: {  	[hbm4b:s24+s3] =	stream.linear.scatter [tilespmem:s26], [sflag:$0x2], $0x80, $0x38;
	[tilespmem:$0x18400] =	vst v63  }
.Ltmp2:
0x87: {  	_ = 	snop;
	(pc) =	sbr.rel @p0 .LBB2_2-.Ltmp2, $4  }
0x88: {  	s28 =	sor.u32 $0x18200, s21;
	s30 =	sor.u32 $0x18300, s21;
	s29 =	sadd.s32 $0x20, s23  }
0x89: {  	[hbm4b:s29+s3] =	stream.linear.scatter [tilespmem:s28], [sflag:$0x2], $0x80, $0x38;
	[tilespmem:$0x18400] =	vst v63  }
0x8a: {  	s19 =	sadd.s32 $0x80, s19;
	s18 =	sadd.s32 $0x1, s18;
	s31 =	sadd.s32 $0x30, s23  }
0x8b: {  	[hbm4b:s31+s3] =	stream.linear.scatter [tilespmem:s30], [sflag:$0x2], $0x80, $0x38;
	[tilespmem:$0x18400] =	vst v63  }
0x8c: {  	s17 =	sadd.s32 $0x1, s17  }
0x8d: {  	_ =	swait.ge [sflag:s16], $0x200;
	p0 =	sne.s32 s17, s7  }
.Ltmp3:
0x8e: {  	[sflag:s16] =	ssyncset.done $0x0;
	(pc) =	sbr.rel @p0 .LBB2_1-.Ltmp3, $4  }
0x8f: {  	[sflag:s16] =	ssyncadd.s32 $0xFFFFFE00  }
0x90: {  	_ =	swait.ge [sflag:s16], $0x200  }
0x91: {  	[sflag:s16] =	ssyncset.done $0x0  }
0x92: {  	[sflag:s16] =	ssyncadd.s32 $0xFFFFFE00  }
0x93: {  	_ =	sfence.sel $0x180000  }
0x94: {  	[bflag:$0x0] =	sbarrier.arrive $0xFFFF  }
0x95: {  	p0 =	sne.s32 s1, $0x0;
	_ =	strace $0x90000047  }
0x96: {  	s0 =	sadd.s32 @!p0 $0x100000, s0;
	[bflag:$0x2] =	sbarrier.arrive $0xFFFF  }
0x97: {  	[sflag:s0] =	ssyncadd.tile.s32 @!p0 $0x1;
	_ =	shalt  }
.Lfunc_end2:
_tile_overlayer_lowered:
.L_overlay_start_2:
0x98: {  	(tag) =	ssettag $0x2  }
0x99: {  	s0 =	rddreg [dreg:$0x0];
	s2 =	stileid.u32  }
0x9a: {  	s1 =	rddreg [dreg:$0x1];
	p0 =	sne.s32 s2, $0x0  }
0x9b: {  	s3 =	rddreg [dreg:$0x2];
	[bflag:$0x3] =	sbarrier.arrive $0xFFFF;
	s2 =	simm.s32 @!p0 $0x1C04  }
0x9c: {  	[timem:s3], [sflag:s2] =	dma.local @!p0 [hbm:s0], s1  }
0x9d: {  	s0 =	simm.s32 @!p0 $0x4  }
0x9e: {  	_ =	swait.ge @!p0 [sflag:s0], s1  }
0x9f: {  	s1 =	ssub.s32 @!p0 $0x0, s1;
	[sflag:s0] =	ssyncset.done @!p0 $0x0  }
0xa0: {  	[sflag:s0] =	ssyncadd.s32 @!p0 s1  }
0xa1: {  	[bflag:$0x3] =	sbarrier.arrive $0xFFFF  }
0xa2: {  	_ =	shalt  }

</sc_bundles>
